<compile_context>
chip_gen: v7x
topology: tpu7x:2x2x1
jax: 0.10.2.dev20260603
libtpu: 0.0.44.dev20260713+nightly
codegen_flags: <defaults>
</compile_context>

<pallas_src>
import functools

import jax
import jax.numpy as jnp
from jax import lax
from jax.experimental import pallas as pl
from jax.experimental.pallas import tpu as pltpu
from jax.experimental.pallas import tpu_sc as plsc

VOCAB = 100000
D = 1024
BATCH = 4
SEQ = 8192
TOT = BATCH * SEQ

_info = plsc.get_sparse_core_info()
NC = _info.num_cores
NS = _info.num_subcores
NW = NC * NS
BPW = TOT // NW
WPR = SEQ // BPW
CH = 32
NCHUNK = BPW // CH
NBUF = 3
LOOKAHEAD = 1

_mesh = plsc.VectorSubcoreMesh(core_axis_name="c", subcore_axis_name="s")


@functools.partial(
    pl.kernel,
    mesh=_mesh,
    out_type=jax.ShapeDtypeStruct((TOT, D), jnp.float32),
    scratch_types=[
        pltpu.VMEM((NCHUNK, CH), jnp.int32),
        pltpu.VMEM((NBUF, CH, D), jnp.float32),
        pltpu.SemaphoreType.DMA,
        pltpu.SemaphoreType.DMA,
        pltpu.SemaphoreType.DMA,
        pltpu.SemaphoreType.DMA,
        pltpu.SemaphoreType.DMA,
        pltpu.SemaphoreType.DMA,
    ],
)
def _sc_embed(idx_hbm, table_hbm, out_hbm, idx_v, bufs,
              g0, g1, g2, s0, s1, s2):
    wid = lax.axis_index("s") * NC + lax.axis_index("c")
    base = wid * BPW
    gsems = (g0, g1, g2)
    ssems = (s0, s1, s2)

    def gather(c, b):
        return pltpu.make_async_copy(
            table_hbm.at[idx_v.at[c]], bufs.at[b], gsems[b])

    def store(c, b):
        return pltpu.make_async_copy(
            bufs.at[b], out_hbm.at[pl.ds(base + c * CH, CH)], ssems[b])

    pltpu.sync_copy(idx_hbm.at[wid], idx_v)

    for c in range(LOOKAHEAD):
        gather(c, c % NBUF).start()

    def chunk_body(c, _):
        cn = c + LOOKAHEAD

        @pl.when(cn < NCHUNK)
        def _issue_next():
            for b in range(NBUF):

                @pl.when((cn % NBUF) == b)
                def _g():
                    @pl.when(cn >= NBUF)
                    def _free_buf():
                        store(cn - NBUF, b).wait()

                    gather(cn, b).start()

        for b in range(NBUF):

            @pl.when((c % NBUF) == b)
            def _cur():
                gather(c, b).wait()
                store(c, b).start()

        return _

    lax.fori_loop(0, NCHUNK, chunk_body, None)

    for c in range(NCHUNK - NBUF, NCHUNK):
        store(c, c % NBUF).wait()


def kernel(input_ids, table):
    ids = input_ids.reshape(NW, NCHUNK, CH).astype(jnp.int32)
    out = _sc_embed(ids, table)
    return out.reshape(BATCH, SEQ, D)

# --- scband reference (transcript-rebuilt; emitter-appended) ---
"""Pipeline reference for scband-word-embedding-5652176962207 (READ-ONLY COPY).

The authoritative reference and input builder live on the scoring server;
editing this copy changes nothing except your own understanding.
"""

import jax, jax.numpy as jnp
import numpy as np

VOCAB_SIZE = 100000
D_MODEL = 1024

def setup_inputs(seed: int = 0) -> dict:
    key = jax.random.key(seed)
    k_idx, k_tab = jax.random.split(key)
    input_ids = jax.random.randint(k_idx, (4, 8192), 0, VOCAB_SIZE, dtype=jnp.int64 if jax.config.jax_enable_x64 else jnp.int32)
    table = jax.random.normal(k_tab, (VOCAB_SIZE, D_MODEL), dtype=jnp.float32)
    return {"input_ids": input_ids, "table": table}

def reference(input_ids, table):
    # Faithful translation of nn.Embedding forward: row gather from the table.
    return jnp.take(table, input_ids, axis=0)

if False:  # reference __main__ guard neutralized (emitter)
    out = reference(**setup_inputs())
    print(out.shape, out.dtype)

if __name__ == "__main__":
    import jax
    _d = setup_inputs()
    print(jax.jit(kernel)(*tuple(_d.values())))

</pallas_src>

<mosaic_0001>
#map = affine_map<(d0, d1) -> (0, 0, 0)>
#map1 = affine_map<(d0, d1) -> (0, 0)>
module attributes {stable_mosaic.version = 14 : i64} {
  func.func @_sc_embed(%arg0: i32, %arg1: i32, %arg2: memref<32x32x32xi32, #tpu.memory_space<hbm>>, %arg3: memref<100000x1024xf32, #tpu.memory_space<hbm>>, %arg4: memref<32768x1024xf32, #tpu.memory_space<hbm>>, %arg5: memref<32x32xi32, #tpu.memory_space<vmem>>, %arg6: memref<3x32x1024xf32, #tpu.memory_space<vmem>>, %arg7: memref<!tpu.dma_semaphore, #tpu.memory_space<semaphore_mem>>, %arg8: memref<!tpu.dma_semaphore, #tpu.memory_space<semaphore_mem>>, %arg9: memref<!tpu.dma_semaphore, #tpu.memory_space<semaphore_mem>>, %arg10: memref<!tpu.dma_semaphore, #tpu.memory_space<semaphore_mem>>, %arg11: memref<!tpu.dma_semaphore, #tpu.memory_space<semaphore_mem>>, %arg12: memref<!tpu.dma_semaphore, #tpu.memory_space<semaphore_mem>>) attributes {dimension_semantics = [#tpu.dimension_semantics<core_parallel>, #tpu.dimension_semantics<subcore_parallel>], iteration_bounds = array<i64: 2, 16>, scalar_prefetch = 0 : i64, scratch_operands = 8 : i64, tpu.core_type = #tpu.core_type<sc_vector_subcore>, window_params = [{transform_indices = #map}, {transform_indices = #map1}, {transform_indices = #map1}]} {
    %mul3A = arith.constant 2 : i32
    %mul3A_0 = arith.muli %arg1, %mul3A : i32
    %add3A = arith.addi %mul3A_0, %arg0 : i32
    %mul3A_1 = arith.constant 1024 : i32
    %mul3A_2 = arith.muli %add3A, %mul3A_1 : i32
    "tpu.region"() ({
      %run_scoped3A = tpu.sem_alloc : memref<!tpu.dma_semaphore, #tpu.memory_space<semaphore_mem>>
      %dma_start3A_62 = arith.constant 0 : i32
      %dma_start3A_63 = arith.constant 0 : i32
      %dma_start3A_64 = tpu.memref_slice %arg2[%add3A, %dma_start3A_62, %dma_start3A_63] : memref<32x32x32xi32, #tpu.memory_space<hbm>> -> memref<1x32x32xi32, #tpu.memory_space<hbm>>
      %dma_start3A_65 = tpu.memref_squeeze %dma_start3A_64 : memref<1x32x32xi32, #tpu.memory_space<hbm>> -> memref<32x32xi32, #tpu.memory_space<hbm>>
      %dma_start3A_66 = arith.constant 0 : i32
      %dma_start3A_67 = arith.constant 0 : i32
      %dma_start3A_68 = tpu.memref_slice %arg2[%add3A, %dma_start3A_66, %dma_start3A_67] : memref<32x32x32xi32, #tpu.memory_space<hbm>> -> memref<1x32x32xi32, #tpu.memory_space<hbm>>
      %dma_start3A_69 = tpu.memref_squeeze %dma_start3A_68 : memref<1x32x32xi32, #tpu.memory_space<hbm>> -> memref<32x32xi32, #tpu.memory_space<hbm>>
      tpu.enqueue_dma source(%dma_start3A_69 : memref<32x32xi32, #tpu.memory_space<hbm>>) target(%arg5 : memref<32x32xi32, #tpu.memory_space<vmem>>) target_semaphore(%run_scoped3A : memref<!tpu.dma_semaphore, #tpu.memory_space<semaphore_mem>>)
      %dma_wait3A_70 = arith.constant 0 : i32
      %dma_wait3A_71 = arith.constant 0 : i32
      %dma_wait3A_72 = tpu.memref_slice %arg2[%add3A, %dma_wait3A_70, %dma_wait3A_71] : memref<32x32x32xi32, #tpu.memory_space<hbm>> -> memref<1x32x32xi32, #tpu.memory_space<hbm>>
      %dma_wait3A_73 = tpu.memref_squeeze %dma_wait3A_72 : memref<1x32x32xi32, #tpu.memory_space<hbm>> -> memref<32x32xi32, #tpu.memory_space<hbm>>
      %dma_wait3A_74 = arith.constant 0 : i32
      %dma_wait3A_75 = arith.constant 0 : i32
      %dma_wait3A_76 = tpu.memref_slice %arg2[%add3A, %dma_wait3A_74, %dma_wait3A_75] : memref<32x32x32xi32, #tpu.memory_space<hbm>> -> memref<1x32x32xi32, #tpu.memory_space<hbm>>
      %dma_wait3A_77 = tpu.memref_squeeze %dma_wait3A_76 : memref<1x32x32xi32, #tpu.memory_space<hbm>> -> memref<32x32xi32, #tpu.memory_space<hbm>>
      tpu.wait_dma2 semaphore(%run_scoped3A : memref<!tpu.dma_semaphore, #tpu.memory_space<semaphore_mem>>) src(%dma_wait3A_77 : memref<32x32xi32, #tpu.memory_space<hbm>>) dst(%arg5 : memref<32x32xi32, #tpu.memory_space<vmem>>)
      tpu.yield
    }) : () -> ()
    %dma_start3A = arith.constant 0 : i32
    %dma_start3A_3 = arith.constant 0 : i32
    %dma_start3A_4 = arith.constant 0 : i32
    %dma_start3A_5 = arith.constant 0 : i32
    %dma_start3A_6 = tpu.memref_slice %arg6[%dma_start3A_3, %dma_start3A_4, %dma_start3A_5] : memref<3x32x1024xf32, #tpu.memory_space<vmem>> -> memref<1x32x1024xf32, #tpu.memory_space<vmem>>
    %dma_start3A_7 = tpu.memref_squeeze %dma_start3A_6 : memref<1x32x1024xf32, #tpu.memory_space<vmem>> -> memref<32x1024xf32, #tpu.memory_space<vmem>>
    %dma_start3A_8 = arith.constant 0 : i32
    %dma_start3A_9 = tpu.memref_slice %arg5[%dma_start3A, %dma_start3A_8] : memref<32x32xi32, #tpu.memory_space<vmem>> -> memref<1x32xi32, #tpu.memory_space<vmem>>
    %dma_start3A_10 = tpu.memref_squeeze %dma_start3A_9 : memref<1x32xi32, #tpu.memory_space<vmem>> -> memref<32xi32, #tpu.memory_space<vmem>>
    %dma_start3A_11 = arith.constant 0 : i32
    %dma_start3A_12 = arith.constant 0 : i32
    %dma_start3A_13 = tpu.memref_slice %arg3[%dma_start3A_11, %dma_start3A_12] : memref<100000x1024xf32, #tpu.memory_space<hbm>> -> memref<100000x1024xf32, #tpu.memory_space<hbm>>
    tpu.enqueue_indirect_dma source(%dma_start3A_13 : memref<100000x1024xf32, #tpu.memory_space<hbm>>) target(%dma_start3A_7 : memref<32x1024xf32, #tpu.memory_space<vmem>>) offsets(%dma_start3A_10 : memref<32xi32, #tpu.memory_space<vmem>>) semaphore(%arg7 : memref<!tpu.dma_semaphore, #tpu.memory_space<semaphore_mem>>)
    %scan3A = arith.constant 0 : i32
    %scan3A_14 = arith.constant 32 : i32
    %scan3A_15 = arith.addi %scan3A, %scan3A_14 : i32
    %scan3A_16 = arith.constant 1 : i32
    scf.for %scan3A_62 = %scan3A to %scan3A_15 step %scan3A_16  : i32 {
      %add3A_63 = arith.constant 1 : i32
      %add3A_64 = arith.addi %scan3A_62, %add3A_63 : i32
      %lt3A = arith.constant 32 : i32
      %lt3A_65 = arith.cmpi slt, %add3A_64, %lt3A : i32
      %convert_element_type3A = arith.extui %lt3A_65 : i1 to i32
      %cond3A = arith.constant 0 : i32
      %cond3A_66 = arith.cmpi ne, %convert_element_type3A, %cond3A : i32
      scf.if %cond3A_66 {
        %jit3A_124 = arith.constant 3 : i32
        %eq3A_125 = arith.constant 0 : i32
        %eq3A_126 = arith.cmpi eq, %jit3A_124, %eq3A_125 : i32
        %jit3A_127 = arith.constant 1 : i32
        %select_n3A_128 = arith.select %eq3A_126, %jit3A_127, %jit3A_124 : i32
        %rem3A_129 = arith.remsi %add3A_64, %select_n3A_128 : i32
        %ne3A_130 = arith.constant 0 : i32
        %ne3A_131 = arith.cmpi ne, %rem3A_129, %ne3A_130 : i32
        %lt3A_132 = arith.constant 0 : i32
        %lt3A_133 = arith.cmpi slt, %rem3A_129, %lt3A_132 : i32
        %lt3A_134 = arith.constant 0 : i32
        %lt3A_135 = arith.cmpi slt, %select_n3A_128, %lt3A_134 : i32
        %ne3A_136 = arith.xori %lt3A_133, %lt3A_135 : i1
        %and3A_137 = arith.andi %ne3A_136, %ne3A_131 : i1
        %add3A_138 = arith.addi %rem3A_129, %select_n3A_128 : i32
        %select_n3A_139 = arith.select %and3A_137, %add3A_138, %rem3A_129 : i32
        %eq3A_140 = arith.constant 0 : i32
        %eq3A_141 = arith.cmpi eq, %select_n3A_139, %eq3A_140 : i32
        %convert_element_type3A_142 = arith.extui %eq3A_141 : i1 to i32
        %cond3A_143 = arith.constant 0 : i32
        %cond3A_144 = arith.cmpi ne, %convert_element_type3A_142, %cond3A_143 : i32
        scf.if %cond3A_144 {
          %ge3A = arith.constant 3 : i32
          %ge3A_187 = arith.cmpi sge, %add3A_64, %ge3A : i32
          %convert_element_type3A_188 = arith.extui %ge3A_187 : i1 to i32
          %cond3A_189 = arith.constant 0 : i32
          %cond3A_190 = arith.cmpi ne, %convert_element_type3A_188, %cond3A_189 : i32
          scf.if %cond3A_190 {
            %sub3A = arith.constant 3 : i32
            %sub3A_202 = arith.subi %add3A_64, %sub3A : i32
            %mul3A_203 = arith.constant 32 : i32
            %mul3A_204 = arith.muli %sub3A_202, %mul3A_203 : i32
            %add3A_205 = arith.addi %mul3A_2, %mul3A_204 : i32
            %dma_wait3A_206 = arith.constant 0 : i32
            %dma_wait3A_207 = arith.constant 0 : i32
            %dma_wait3A_208 = arith.constant 0 : i32
            %dma_wait3A_209 = tpu.memref_slice %arg6[%dma_wait3A_206, %dma_wait3A_207, %dma_wait3A_208] : memref<3x32x1024xf32, #tpu.memory_space<vmem>> -> memref<1x32x1024xf32, #tpu.memory_space<vmem>>
            %dma_wait3A_210 = tpu.memref_squeeze %dma_wait3A_209 : memref<1x32x1024xf32, #tpu.memory_space<vmem>> -> memref<32x1024xf32, #tpu.memory_space<vmem>>
            %dma_wait3A_211 = arith.constant 0 : i32
            %dma_wait3A_212 = tpu.memref_slice %arg4[%add3A_205, %dma_wait3A_211] : memref<32768x1024xf32, #tpu.memory_space<hbm>> -> memref<32x1024xf32, #tpu.memory_space<hbm>>
            %dma_wait3A_213 = arith.constant 0 : i32
            %dma_wait3A_214 = tpu.memref_slice %arg4[%add3A_205, %dma_wait3A_213] : memref<32768x1024xf32, #tpu.memory_space<hbm>> -> memref<32x1024xf32, #tpu.memory_space<hbm>>
            %dma_wait3A_215 = arith.constant 0 : i32
            %dma_wait3A_216 = arith.constant 0 : i32
            %dma_wait3A_217 = tpu.memref_slice %arg6[%dma_wait3A_206, %dma_wait3A_215, %dma_wait3A_216] : memref<3x32x1024xf32, #tpu.memory_space<vmem>> -> memref<1x32x1024xf32, #tpu.memory_space<vmem>>
            %dma_wait3A_218 = tpu.memref_squeeze %dma_wait3A_217 : memref<1x32x1024xf32, #tpu.memory_space<vmem>> -> memref<32x1024xf32, #tpu.memory_space<vmem>>
            tpu.wait_dma2 semaphore(%arg10 : memref<!tpu.dma_semaphore, #tpu.memory_space<semaphore_mem>>) src(%dma_wait3A_218 : memref<32x1024xf32, #tpu.memory_space<vmem>>) dst(%dma_wait3A_214 : memref<32x1024xf32, #tpu.memory_space<hbm>>)
          } else {
          }
          %dma_start3A_191 = arith.constant 0 : i32
          %dma_start3A_192 = arith.constant 0 : i32
          %dma_start3A_193 = arith.constant 0 : i32
          %dma_start3A_194 = tpu.memref_slice %arg6[%dma_start3A_191, %dma_start3A_192, %dma_start3A_193] : memref<3x32x1024xf32, #tpu.memory_space<vmem>> -> memref<1x32x1024xf32, #tpu.memory_space<vmem>>
          %dma_start3A_195 = tpu.memref_squeeze %dma_start3A_194 : memref<1x32x1024xf32, #tpu.memory_space<vmem>> -> memref<32x1024xf32, #tpu.memory_space<vmem>>
          %dma_start3A_196 = arith.constant 0 : i32
          %dma_start3A_197 = tpu.memref_slice %arg5[%add3A_64, %dma_start3A_196] : memref<32x32xi32, #tpu.memory_space<vmem>> -> memref<1x32xi32, #tpu.memory_space<vmem>>
          %dma_start3A_198 = tpu.memref_squeeze %dma_start3A_197 : memref<1x32xi32, #tpu.memory_space<vmem>> -> memref<32xi32, #tpu.memory_space<vmem>>
          %dma_start3A_199 = arith.constant 0 : i32
          %dma_start3A_200 = arith.constant 0 : i32
          %dma_start3A_201 = tpu.memref_slice %arg3[%dma_start3A_199, %dma_start3A_200] : memref<100000x1024xf32, #tpu.memory_space<hbm>> -> memref<100000x1024xf32, #tpu.memory_space<hbm>>
          tpu.enqueue_indirect_dma source(%dma_start3A_201 : memref<100000x1024xf32, #tpu.memory_space<hbm>>) target(%dma_start3A_195 : memref<32x1024xf32, #tpu.memory_space<vmem>>) offsets(%dma_start3A_198 : memref<32xi32, #tpu.memory_space<vmem>>) semaphore(%arg7 : memref<!tpu.dma_semaphore, #tpu.memory_space<semaphore_mem>>)
        } else {
        }
        %jit3A_145 = arith.constant 3 : i32
        %eq3A_146 = arith.constant 0 : i32
        %eq3A_147 = arith.cmpi eq, %jit3A_145, %eq3A_146 : i32
        %jit3A_148 = arith.constant 1 : i32
        %select_n3A_149 = arith.select %eq3A_147, %jit3A_148, %jit3A_145 : i32
        %rem3A_150 = arith.remsi %add3A_64, %select_n3A_149 : i32
        %ne3A_151 = arith.constant 0 : i32
        %ne3A_152 = arith.cmpi ne, %rem3A_150, %ne3A_151 : i32
        %lt3A_153 = arith.constant 0 : i32
        %lt3A_154 = arith.cmpi slt, %rem3A_150, %lt3A_153 : i32
        %lt3A_155 = arith.constant 0 : i32
        %lt3A_156 = arith.cmpi slt, %select_n3A_149, %lt3A_155 : i32
        %ne3A_157 = arith.xori %lt3A_154, %lt3A_156 : i1
        %and3A_158 = arith.andi %ne3A_157, %ne3A_152 : i1
        %add3A_159 = arith.addi %rem3A_150, %select_n3A_149 : i32
        %select_n3A_160 = arith.select %and3A_158, %add3A_159, %rem3A_150 : i32
        %eq3A_161 = arith.constant 1 : i32
        %eq3A_162 = arith.cmpi eq, %select_n3A_160, %eq3A_161 : i32
        %convert_element_type3A_163 = arith.extui %eq3A_162 : i1 to i32
        %cond3A_164 = arith.constant 0 : i32
        %cond3A_165 = arith.cmpi ne, %convert_element_type3A_163, %cond3A_164 : i32
        scf.if %cond3A_165 {
          %ge3A = arith.constant 3 : i32
          %ge3A_187 = arith.cmpi sge, %add3A_64, %ge3A : i32
          %convert_element_type3A_188 = arith.extui %ge3A_187 : i1 to i32
          %cond3A_189 = arith.constant 0 : i32
          %cond3A_190 = arith.cmpi ne, %convert_element_type3A_188, %cond3A_189 : i32
          scf.if %cond3A_190 {
            %sub3A = arith.constant 3 : i32
            %sub3A_202 = arith.subi %add3A_64, %sub3A : i32
            %mul3A_203 = arith.constant 32 : i32
            %mul3A_204 = arith.muli %sub3A_202, %mul3A_203 : i32
            %add3A_205 = arith.addi %mul3A_2, %mul3A_204 : i32
            %dma_wait3A_206 = arith.constant 1 : i32
            %dma_wait3A_207 = arith.constant 0 : i32
            %dma_wait3A_208 = arith.constant 0 : i32
            %dma_wait3A_209 = tpu.memref_slice %arg6[%dma_wait3A_206, %dma_wait3A_207, %dma_wait3A_208] : memref<3x32x1024xf32, #tpu.memory_space<vmem>> -> memref<1x32x1024xf32, #tpu.memory_space<vmem>>
            %dma_wait3A_210 = tpu.memref_squeeze %dma_wait3A_209 : memref<1x32x1024xf32, #tpu.memory_space<vmem>> -> memref<32x1024xf32, #tpu.memory_space<vmem>>
            %dma_wait3A_211 = arith.constant 0 : i32
            %dma_wait3A_212 = tpu.memref_slice %arg4[%add3A_205, %dma_wait3A_211] : memref<32768x1024xf32, #tpu.memory_space<hbm>> -> memref<32x1024xf32, #tpu.memory_space<hbm>>
            %dma_wait3A_213 = arith.constant 0 : i32
            %dma_wait3A_214 = tpu.memref_slice %arg4[%add3A_205, %dma_wait3A_213] : memref<32768x1024xf32, #tpu.memory_space<hbm>> -> memref<32x1024xf32, #tpu.memory_space<hbm>>
            %dma_wait3A_215 = arith.constant 0 : i32
            %dma_wait3A_216 = arith.constant 0 : i32
            %dma_wait3A_217 = tpu.memref_slice %arg6[%dma_wait3A_206, %dma_wait3A_215, %dma_wait3A_216] : memref<3x32x1024xf32, #tpu.memory_space<vmem>> -> memref<1x32x1024xf32, #tpu.memory_space<vmem>>
            %dma_wait3A_218 = tpu.memref_squeeze %dma_wait3A_217 : memref<1x32x1024xf32, #tpu.memory_space<vmem>> -> memref<32x1024xf32, #tpu.memory_space<vmem>>
            tpu.wait_dma2 semaphore(%arg11 : memref<!tpu.dma_semaphore, #tpu.memory_space<semaphore_mem>>) src(%dma_wait3A_218 : memref<32x1024xf32, #tpu.memory_space<vmem>>) dst(%dma_wait3A_214 : memref<32x1024xf32, #tpu.memory_space<hbm>>)
          } else {
          }
          %dma_start3A_191 = arith.constant 1 : i32
          %dma_start3A_192 = arith.constant 0 : i32
          %dma_start3A_193 = arith.constant 0 : i32
          %dma_start3A_194 = tpu.memref_slice %arg6[%dma_start3A_191, %dma_start3A_192, %dma_start3A_193] : memref<3x32x1024xf32, #tpu.memory_space<vmem>> -> memref<1x32x1024xf32, #tpu.memory_space<vmem>>
          %dma_start3A_195 = tpu.memref_squeeze %dma_start3A_194 : memref<1x32x1024xf32, #tpu.memory_space<vmem>> -> memref<32x1024xf32, #tpu.memory_space<vmem>>
          %dma_start3A_196 = arith.constant 0 : i32
          %dma_start3A_197 = tpu.memref_slice %arg5[%add3A_64, %dma_start3A_196] : memref<32x32xi32, #tpu.memory_space<vmem>> -> memref<1x32xi32, #tpu.memory_space<vmem>>
          %dma_start3A_198 = tpu.memref_squeeze %dma_start3A_197 : memref<1x32xi32, #tpu.memory_space<vmem>> -> memref<32xi32, #tpu.memory_space<vmem>>
          %dma_start3A_199 = arith.constant 0 : i32
          %dma_start3A_200 = arith.constant 0 : i32
          %dma_start3A_201 = tpu.memref_slice %arg3[%dma_start3A_199, %dma_start3A_200] : memref<100000x1024xf32, #tpu.memory_space<hbm>> -> memref<100000x1024xf32, #tpu.memory_space<hbm>>
          tpu.enqueue_indirect_dma source(%dma_start3A_201 : memref<100000x1024xf32, #tpu.memory_space<hbm>>) target(%dma_start3A_195 : memref<32x1024xf32, #tpu.memory_space<vmem>>) offsets(%dma_start3A_198 : memref<32xi32, #tpu.memory_space<vmem>>) semaphore(%arg8 : memref<!tpu.dma_semaphore, #tpu.memory_space<semaphore_mem>>)
        } else {
        }
        %jit3A_166 = arith.constant 3 : i32
        %eq3A_167 = arith.constant 0 : i32
        %eq3A_168 = arith.cmpi eq, %jit3A_166, %eq3A_167 : i32
        %jit3A_169 = arith.constant 1 : i32
        %select_n3A_170 = arith.select %eq3A_168, %jit3A_169, %jit3A_166 : i32
        %rem3A_171 = arith.remsi %add3A_64, %select_n3A_170 : i32
        %ne3A_172 = arith.constant 0 : i32
        %ne3A_173 = arith.cmpi ne, %rem3A_171, %ne3A_172 : i32
        %lt3A_174 = arith.constant 0 : i32
        %lt3A_175 = arith.cmpi slt, %rem3A_171, %lt3A_174 : i32
        %lt3A_176 = arith.constant 0 : i32
        %lt3A_177 = arith.cmpi slt, %select_n3A_170, %lt3A_176 : i32
        %ne3A_178 = arith.xori %lt3A_175, %lt3A_177 : i1
        %and3A_179 = arith.andi %ne3A_178, %ne3A_173 : i1
        %add3A_180 = arith.addi %rem3A_171, %select_n3A_170 : i32
        %select_n3A_181 = arith.select %and3A_179, %add3A_180, %rem3A_171 : i32
        %eq3A_182 = arith.constant 2 : i32
        %eq3A_183 = arith.cmpi eq, %select_n3A_181, %eq3A_182 : i32
        %convert_element_type3A_184 = arith.extui %eq3A_183 : i1 to i32
        %cond3A_185 = arith.constant 0 : i32
        %cond3A_186 = arith.cmpi ne, %convert_element_type3A_184, %cond3A_185 : i32
        scf.if %cond3A_186 {
          %ge3A = arith.constant 3 : i32
          %ge3A_187 = arith.cmpi sge, %add3A_64, %ge3A : i32
          %convert_element_type3A_188 = arith.extui %ge3A_187 : i1 to i32
          %cond3A_189 = arith.constant 0 : i32
          %cond3A_190 = arith.cmpi ne, %convert_element_type3A_188, %cond3A_189 : i32
          scf.if %cond3A_190 {
            %sub3A = arith.constant 3 : i32
            %sub3A_202 = arith.subi %add3A_64, %sub3A : i32
            %mul3A_203 = arith.constant 32 : i32
            %mul3A_204 = arith.muli %sub3A_202, %mul3A_203 : i32
            %add3A_205 = arith.addi %mul3A_2, %mul3A_204 : i32
            %dma_wait3A_206 = arith.constant 2 : i32
            %dma_wait3A_207 = arith.constant 0 : i32
            %dma_wait3A_208 = arith.constant 0 : i32
            %dma_wait3A_209 = tpu.memref_slice %arg6[%dma_wait3A_206, %dma_wait3A_207, %dma_wait3A_208] : memref<3x32x1024xf32, #tpu.memory_space<vmem>> -> memref<1x32x1024xf32, #tpu.memory_space<vmem>>
            %dma_wait3A_210 = tpu.memref_squeeze %dma_wait3A_209 : memref<1x32x1024xf32, #tpu.memory_space<vmem>> -> memref<32x1024xf32, #tpu.memory_space<vmem>>
            %dma_wait3A_211 = arith.constant 0 : i32
            %dma_wait3A_212 = tpu.memref_slice %arg4[%add3A_205, %dma_wait3A_211] : memref<32768x1024xf32, #tpu.memory_space<hbm>> -> memref<32x1024xf32, #tpu.memory_space<hbm>>
            %dma_wait3A_213 = arith.constant 0 : i32
            %dma_wait3A_214 = tpu.memref_slice %arg4[%add3A_205, %dma_wait3A_213] : memref<32768x1024xf32, #tpu.memory_space<hbm>> -> memref<32x1024xf32, #tpu.memory_space<hbm>>
            %dma_wait3A_215 = arith.constant 0 : i32
            %dma_wait3A_216 = arith.constant 0 : i32
            %dma_wait3A_217 = tpu.memref_slice %arg6[%dma_wait3A_206, %dma_wait3A_215, %dma_wait3A_216] : memref<3x32x1024xf32, #tpu.memory_space<vmem>> -> memref<1x32x1024xf32, #tpu.memory_space<vmem>>
            %dma_wait3A_218 = tpu.memref_squeeze %dma_wait3A_217 : memref<1x32x1024xf32, #tpu.memory_space<vmem>> -> memref<32x1024xf32, #tpu.memory_space<vmem>>
            tpu.wait_dma2 semaphore(%arg12 : memref<!tpu.dma_semaphore, #tpu.memory_space<semaphore_mem>>) src(%dma_wait3A_218 : memref<32x1024xf32, #tpu.memory_space<vmem>>) dst(%dma_wait3A_214 : memref<32x1024xf32, #tpu.memory_space<hbm>>)
          } else {
          }
          %dma_start3A_191 = arith.constant 2 : i32
          %dma_start3A_192 = arith.constant 0 : i32
          %dma_start3A_193 = arith.constant 0 : i32
          %dma_start3A_194 = tpu.memref_slice %arg6[%dma_start3A_191, %dma_start3A_192, %dma_start3A_193] : memref<3x32x1024xf32, #tpu.memory_space<vmem>> -> memref<1x32x1024xf32, #tpu.memory_space<vmem>>
          %dma_start3A_195 = tpu.memref_squeeze %dma_start3A_194 : memref<1x32x1024xf32, #tpu.memory_space<vmem>> -> memref<32x1024xf32, #tpu.memory_space<vmem>>
          %dma_start3A_196 = arith.constant 0 : i32
          %dma_start3A_197 = tpu.memref_slice %arg5[%add3A_64, %dma_start3A_196] : memref<32x32xi32, #tpu.memory_space<vmem>> -> memref<1x32xi32, #tpu.memory_space<vmem>>
          %dma_start3A_198 = tpu.memref_squeeze %dma_start3A_197 : memref<1x32xi32, #tpu.memory_space<vmem>> -> memref<32xi32, #tpu.memory_space<vmem>>
          %dma_start3A_199 = arith.constant 0 : i32
          %dma_start3A_200 = arith.constant 0 : i32
          %dma_start3A_201 = tpu.memref_slice %arg3[%dma_start3A_199, %dma_start3A_200] : memref<100000x1024xf32, #tpu.memory_space<hbm>> -> memref<100000x1024xf32, #tpu.memory_space<hbm>>
          tpu.enqueue_indirect_dma source(%dma_start3A_201 : memref<100000x1024xf32, #tpu.memory_space<hbm>>) target(%dma_start3A_195 : memref<32x1024xf32, #tpu.memory_space<vmem>>) offsets(%dma_start3A_198 : memref<32xi32, #tpu.memory_space<vmem>>) semaphore(%arg9 : memref<!tpu.dma_semaphore, #tpu.memory_space<semaphore_mem>>)
        } else {
        }
      } else {
      }
      %jit3A = arith.constant 3 : i32
      %eq3A = arith.constant 0 : i32
      %eq3A_67 = arith.cmpi eq, %jit3A, %eq3A : i32
      %jit3A_68 = arith.constant 1 : i32
      %select_n3A = arith.select %eq3A_67, %jit3A_68, %jit3A : i32
      %rem3A = arith.remsi %scan3A_62, %select_n3A : i32
      %ne3A = arith.constant 0 : i32
      %ne3A_69 = arith.cmpi ne, %rem3A, %ne3A : i32
      %lt3A_70 = arith.constant 0 : i32
      %lt3A_71 = arith.cmpi slt, %rem3A, %lt3A_70 : i32
      %lt3A_72 = arith.constant 0 : i32
      %lt3A_73 = arith.cmpi slt, %select_n3A, %lt3A_72 : i32
      %ne3A_74 = arith.xori %lt3A_71, %lt3A_73 : i1
      %and3A = arith.andi %ne3A_74, %ne3A_69 : i1
      %add3A_75 = arith.addi %rem3A, %select_n3A : i32
      %select_n3A_76 = arith.select %and3A, %add3A_75, %rem3A : i32
      %eq3A_77 = arith.constant 0 : i32
      %eq3A_78 = arith.cmpi eq, %select_n3A_76, %eq3A_77 : i32
      %convert_element_type3A_79 = arith.extui %eq3A_78 : i1 to i32
      %cond3A_80 = arith.constant 0 : i32
      %cond3A_81 = arith.cmpi ne, %convert_element_type3A_79, %cond3A_80 : i32
      scf.if %cond3A_81 {
        %dma_wait3A_124 = arith.constant 0 : i32
        %dma_wait3A_125 = arith.constant 0 : i32
        %dma_wait3A_126 = arith.constant 0 : i32
        %dma_wait3A_127 = tpu.memref_slice %arg6[%dma_wait3A_124, %dma_wait3A_125, %dma_wait3A_126] : memref<3x32x1024xf32, #tpu.memory_space<vmem>> -> memref<1x32x1024xf32, #tpu.memory_space<vmem>>
        %dma_wait3A_128 = tpu.memref_squeeze %dma_wait3A_127 : memref<1x32x1024xf32, #tpu.memory_space<vmem>> -> memref<32x1024xf32, #tpu.memory_space<vmem>>
        %dma_wait3A_129 = arith.constant 0 : i32
        %dma_wait3A_130 = tpu.memref_slice %arg5[%scan3A_62, %dma_wait3A_129] : memref<32x32xi32, #tpu.memory_space<vmem>> -> memref<1x32xi32, #tpu.memory_space<vmem>>
        %dma_wait3A_131 = tpu.memref_squeeze %dma_wait3A_130 : memref<1x32xi32, #tpu.memory_space<vmem>> -> memref<32xi32, #tpu.memory_space<vmem>>
        %dma_wait3A_132 = arith.constant 0 : i32
        %dma_wait3A_133 = arith.constant 0 : i32
        %dma_wait3A_134 = tpu.memref_slice %arg3[%dma_wait3A_132, %dma_wait3A_133] : memref<100000x1024xf32, #tpu.memory_space<hbm>> -> memref<100000x1024xf32, #tpu.memory_space<hbm>>
        tpu.wait_indirect_dma semaphore(%arg7 : memref<!tpu.dma_semaphore, #tpu.memory_space<semaphore_mem>>) src(%dma_wait3A_134 : memref<100000x1024xf32, #tpu.memory_space<hbm>>) dst(%dma_wait3A_128 : memref<32x1024xf32, #tpu.memory_space<vmem>>)
        %mul3A_135 = arith.constant 32 : i32
        %mul3A_136 = arith.muli %scan3A_62, %mul3A_135 : i32
        %add3A_137 = arith.addi %mul3A_2, %mul3A_136 : i32
        %dma_start3A_138 = arith.constant 0 : i32
        %dma_start3A_139 = arith.constant 0 : i32
        %dma_start3A_140 = arith.constant 0 : i32
        %dma_start3A_141 = tpu.memref_slice %arg6[%dma_start3A_138, %dma_start3A_139, %dma_start3A_140] : memref<3x32x1024xf32, #tpu.memory_space<vmem>> -> memref<1x32x1024xf32, #tpu.memory_space<vmem>>
        %dma_start3A_142 = tpu.memref_squeeze %dma_start3A_141 : memref<1x32x1024xf32, #tpu.memory_space<vmem>> -> memref<32x1024xf32, #tpu.memory_space<vmem>>
        %dma_start3A_143 = arith.constant 0 : i32
        %dma_start3A_144 = tpu.memref_slice %arg4[%add3A_137, %dma_start3A_143] : memref<32768x1024xf32, #tpu.memory_space<hbm>> -> memref<32x1024xf32, #tpu.memory_space<hbm>>
        %dma_start3A_145 = arith.constant 0 : i32
        %dma_start3A_146 = tpu.memref_slice %arg4[%add3A_137, %dma_start3A_145] : memref<32768x1024xf32, #tpu.memory_space<hbm>> -> memref<32x1024xf32, #tpu.memory_space<hbm>>
        %dma_start3A_147 = arith.constant 0 : i32
        %dma_start3A_148 = arith.constant 0 : i32
        %dma_start3A_149 = tpu.memref_slice %arg6[%dma_start3A_138, %dma_start3A_147, %dma_start3A_148] : memref<3x32x1024xf32, #tpu.memory_space<vmem>> -> memref<1x32x1024xf32, #tpu.memory_space<vmem>>
        %dma_start3A_150 = tpu.memref_squeeze %dma_start3A_149 : memref<1x32x1024xf32, #tpu.memory_space<vmem>> -> memref<32x1024xf32, #tpu.memory_space<vmem>>
        tpu.enqueue_dma source(%dma_start3A_150 : memref<32x1024xf32, #tpu.memory_space<vmem>>) target(%dma_start3A_146 : memref<32x1024xf32, #tpu.memory_space<hbm>>) target_semaphore(%arg10 : memref<!tpu.dma_semaphore, #tpu.memory_space<semaphore_mem>>)
      } else {
      }
      %jit3A_82 = arith.constant 3 : i32
      %eq3A_83 = arith.constant 0 : i32
      %eq3A_84 = arith.cmpi eq, %jit3A_82, %eq3A_83 : i32
      %jit3A_85 = arith.constant 1 : i32
      %select_n3A_86 = arith.select %eq3A_84, %jit3A_85, %jit3A_82 : i32
      %rem3A_87 = arith.remsi %scan3A_62, %select_n3A_86 : i32
      %ne3A_88 = arith.constant 0 : i32
      %ne3A_89 = arith.cmpi ne, %rem3A_87, %ne3A_88 : i32
      %lt3A_90 = arith.constant 0 : i32
      %lt3A_91 = arith.cmpi slt, %rem3A_87, %lt3A_90 : i32
      %lt3A_92 = arith.constant 0 : i32
      %lt3A_93 = arith.cmpi slt, %select_n3A_86, %lt3A_92 : i32
      %ne3A_94 = arith.xori %lt3A_91, %lt3A_93 : i1
      %and3A_95 = arith.andi %ne3A_94, %ne3A_89 : i1
      %add3A_96 = arith.addi %rem3A_87, %select_n3A_86 : i32
      %select_n3A_97 = arith.select %and3A_95, %add3A_96, %rem3A_87 : i32
      %eq3A_98 = arith.constant 1 : i32
      %eq3A_99 = arith.cmpi eq, %select_n3A_97, %eq3A_98 : i32
      %convert_element_type3A_100 = arith.extui %eq3A_99 : i1 to i32
      %cond3A_101 = arith.constant 0 : i32
      %cond3A_102 = arith.cmpi ne, %convert_element_type3A_100, %cond3A_101 : i32
      scf.if %cond3A_102 {
        %dma_wait3A_124 = arith.constant 1 : i32
        %dma_wait3A_125 = arith.constant 0 : i32
        %dma_wait3A_126 = arith.constant 0 : i32
        %dma_wait3A_127 = tpu.memref_slice %arg6[%dma_wait3A_124, %dma_wait3A_125, %dma_wait3A_126] : memref<3x32x1024xf32, #tpu.memory_space<vmem>> -> memref<1x32x1024xf32, #tpu.memory_space<vmem>>
        %dma_wait3A_128 = tpu.memref_squeeze %dma_wait3A_127 : memref<1x32x1024xf32, #tpu.memory_space<vmem>> -> memref<32x1024xf32, #tpu.memory_space<vmem>>
        %dma_wait3A_129 = arith.constant 0 : i32
        %dma_wait3A_130 = tpu.memref_slice %arg5[%scan3A_62, %dma_wait3A_129] : memref<32x32xi32, #tpu.memory_space<vmem>> -> memref<1x32xi32, #tpu.memory_space<vmem>>
        %dma_wait3A_131 = tpu.memref_squeeze %dma_wait3A_130 : memref<1x32xi32, #tpu.memory_space<vmem>> -> memref<32xi32, #tpu.memory_space<vmem>>
        %dma_wait3A_132 = arith.constant 0 : i32
        %dma_wait3A_133 = arith.constant 0 : i32
        %dma_wait3A_134 = tpu.memref_slice %arg3[%dma_wait3A_132, %dma_wait3A_133] : memref<100000x1024xf32, #tpu.memory_space<hbm>> -> memref<100000x1024xf32, #tpu.memory_space<hbm>>
        tpu.wait_indirect_dma semaphore(%arg8 : memref<!tpu.dma_semaphore, #tpu.memory_space<semaphore_mem>>) src(%dma_wait3A_134 : memref<100000x1024xf32, #tpu.memory_space<hbm>>) dst(%dma_wait3A_128 : memref<32x1024xf32, #tpu.memory_space<vmem>>)
        %mul3A_135 = arith.constant 32 : i32
        %mul3A_136 = arith.muli %scan3A_62, %mul3A_135 : i32
        %add3A_137 = arith.addi %mul3A_2, %mul3A_136 : i32
        %dma_start3A_138 = arith.constant 1 : i32
        %dma_start3A_139 = arith.constant 0 : i32
        %dma_start3A_140 = arith.constant 0 : i32
        %dma_start3A_141 = tpu.memref_slice %arg6[%dma_start3A_138, %dma_start3A_139, %dma_start3A_140] : memref<3x32x1024xf32, #tpu.memory_space<vmem>> -> memref<1x32x1024xf32, #tpu.memory_space<vmem>>
        %dma_start3A_142 = tpu.memref_squeeze %dma_start3A_141 : memref<1x32x1024xf32, #tpu.memory_space<vmem>> -> memref<32x1024xf32, #tpu.memory_space<vmem>>
        %dma_start3A_143 = arith.constant 0 : i32
        %dma_start3A_144 = tpu.memref_slice %arg4[%add3A_137, %dma_start3A_143] : memref<32768x1024xf32, #tpu.memory_space<hbm>> -> memref<32x1024xf32, #tpu.memory_space<hbm>>
        %dma_start3A_145 = arith.constant 0 : i32
        %dma_start3A_146 = tpu.memref_slice %arg4[%add3A_137, %dma_start3A_145] : memref<32768x1024xf32, #tpu.memory_space<hbm>> -> memref<32x1024xf32, #tpu.memory_space<hbm>>
        %dma_start3A_147 = arith.constant 0 : i32
        %dma_start3A_148 = arith.constant 0 : i32
        %dma_start3A_149 = tpu.memref_slice %arg6[%dma_start3A_138, %dma_start3A_147, %dma_start3A_148] : memref<3x32x1024xf32, #tpu.memory_space<vmem>> -> memref<1x32x1024xf32, #tpu.memory_space<vmem>>
        %dma_start3A_150 = tpu.memref_squeeze %dma_start3A_149 : memref<1x32x1024xf32, #tpu.memory_space<vmem>> -> memref<32x1024xf32, #tpu.memory_space<vmem>>
        tpu.enqueue_dma source(%dma_start3A_150 : memref<32x1024xf32, #tpu.memory_space<vmem>>) target(%dma_start3A_146 : memref<32x1024xf32, #tpu.memory_space<hbm>>) target_semaphore(%arg11 : memref<!tpu.dma_semaphore, #tpu.memory_space<semaphore_mem>>)
      } else {
      }
      %jit3A_103 = arith.constant 3 : i32
      %eq3A_104 = arith.constant 0 : i32
      %eq3A_105 = arith.cmpi eq, %jit3A_103, %eq3A_104 : i32
      %jit3A_106 = arith.constant 1 : i32
      %select_n3A_107 = arith.select %eq3A_105, %jit3A_106, %jit3A_103 : i32
      %rem3A_108 = arith.remsi %scan3A_62, %select_n3A_107 : i32
      %ne3A_109 = arith.constant 0 : i32
      %ne3A_110 = arith.cmpi ne, %rem3A_108, %ne3A_109 : i32
      %lt3A_111 = arith.constant 0 : i32
      %lt3A_112 = arith.cmpi slt, %rem3A_108, %lt3A_111 : i32
      %lt3A_113 = arith.constant 0 : i32
      %lt3A_114 = arith.cmpi slt, %select_n3A_107, %lt3A_113 : i32
      %ne3A_115 = arith.xori %lt3A_112, %lt3A_114 : i1
      %and3A_116 = arith.andi %ne3A_115, %ne3A_110 : i1
      %add3A_117 = arith.addi %rem3A_108, %select_n3A_107 : i32
      %select_n3A_118 = arith.select %and3A_116, %add3A_117, %rem3A_108 : i32
      %eq3A_119 = arith.constant 2 : i32
      %eq3A_120 = arith.cmpi eq, %select_n3A_118, %eq3A_119 : i32
      %convert_element_type3A_121 = arith.extui %eq3A_120 : i1 to i32
      %cond3A_122 = arith.constant 0 : i32
      %cond3A_123 = arith.cmpi ne, %convert_element_type3A_121, %cond3A_122 : i32
      scf.if %cond3A_123 {
        %dma_wait3A_124 = arith.constant 2 : i32
        %dma_wait3A_125 = arith.constant 0 : i32
        %dma_wait3A_126 = arith.constant 0 : i32
        %dma_wait3A_127 = tpu.memref_slice %arg6[%dma_wait3A_124, %dma_wait3A_125, %dma_wait3A_126] : memref<3x32x1024xf32, #tpu.memory_space<vmem>> -> memref<1x32x1024xf32, #tpu.memory_space<vmem>>
        %dma_wait3A_128 = tpu.memref_squeeze %dma_wait3A_127 : memref<1x32x1024xf32, #tpu.memory_space<vmem>> -> memref<32x1024xf32, #tpu.memory_space<vmem>>
        %dma_wait3A_129 = arith.constant 0 : i32
        %dma_wait3A_130 = tpu.memref_slice %arg5[%scan3A_62, %dma_wait3A_129] : memref<32x32xi32, #tpu.memory_space<vmem>> -> memref<1x32xi32, #tpu.memory_space<vmem>>
        %dma_wait3A_131 = tpu.memref_squeeze %dma_wait3A_130 : memref<1x32xi32, #tpu.memory_space<vmem>> -> memref<32xi32, #tpu.memory_space<vmem>>
        %dma_wait3A_132 = arith.constant 0 : i32
        %dma_wait3A_133 = arith.constant 0 : i32
        %dma_wait3A_134 = tpu.memref_slice %arg3[%dma_wait3A_132, %dma_wait3A_133] : memref<100000x1024xf32, #tpu.memory_space<hbm>> -> memref<100000x1024xf32, #tpu.memory_space<hbm>>
        tpu.wait_indirect_dma semaphore(%arg9 : memref<!tpu.dma_semaphore, #tpu.memory_space<semaphore_mem>>) src(%dma_wait3A_134 : memref<100000x1024xf32, #tpu.memory_space<hbm>>) dst(%dma_wait3A_128 : memref<32x1024xf32, #tpu.memory_space<vmem>>)
        %mul3A_135 = arith.constant 32 : i32
        %mul3A_136 = arith.muli %scan3A_62, %mul3A_135 : i32
        %add3A_137 = arith.addi %mul3A_2, %mul3A_136 : i32
        %dma_start3A_138 = arith.constant 2 : i32
        %dma_start3A_139 = arith.constant 0 : i32
        %dma_start3A_140 = arith.constant 0 : i32
        %dma_start3A_141 = tpu.memref_slice %arg6[%dma_start3A_138, %dma_start3A_139, %dma_start3A_140] : memref<3x32x1024xf32, #tpu.memory_space<vmem>> -> memref<1x32x1024xf32, #tpu.memory_space<vmem>>
        %dma_start3A_142 = tpu.memref_squeeze %dma_start3A_141 : memref<1x32x1024xf32, #tpu.memory_space<vmem>> -> memref<32x1024xf32, #tpu.memory_space<vmem>>
        %dma_start3A_143 = arith.constant 0 : i32
        %dma_start3A_144 = tpu.memref_slice %arg4[%add3A_137, %dma_start3A_143] : memref<32768x1024xf32, #tpu.memory_space<hbm>> -> memref<32x1024xf32, #tpu.memory_space<hbm>>
        %dma_start3A_145 = arith.constant 0 : i32
        %dma_start3A_146 = tpu.memref_slice %arg4[%add3A_137, %dma_start3A_145] : memref<32768x1024xf32, #tpu.memory_space<hbm>> -> memref<32x1024xf32, #tpu.memory_space<hbm>>
        %dma_start3A_147 = arith.constant 0 : i32
        %dma_start3A_148 = arith.constant 0 : i32
        %dma_start3A_149 = tpu.memref_slice %arg6[%dma_start3A_138, %dma_start3A_147, %dma_start3A_148] : memref<3x32x1024xf32, #tpu.memory_space<vmem>> -> memref<1x32x1024xf32, #tpu.memory_space<vmem>>
        %dma_start3A_150 = tpu.memref_squeeze %dma_start3A_149 : memref<1x32x1024xf32, #tpu.memory_space<vmem>> -> memref<32x1024xf32, #tpu.memory_space<vmem>>
        tpu.enqueue_dma source(%dma_start3A_150 : memref<32x1024xf32, #tpu.memory_space<vmem>>) target(%dma_start3A_146 : memref<32x1024xf32, #tpu.memory_space<hbm>>) target_semaphore(%arg12 : memref<!tpu.dma_semaphore, #tpu.memory_space<semaphore_mem>>)
      } else {
      }
    }
    %scan3A_17 = arith.constant 32 : i32
    %add3A_18 = arith.constant 928 : i32
    %add3A_19 = arith.addi %mul3A_2, %add3A_18 : i32
    %dma_wait3A = arith.constant 2 : i32
    %dma_wait3A_20 = arith.constant 0 : i32
    %dma_wait3A_21 = arith.constant 0 : i32
    %dma_wait3A_22 = tpu.memref_slice %arg6[%dma_wait3A, %dma_wait3A_20, %dma_wait3A_21] : memref<3x32x1024xf32, #tpu.memory_space<vmem>> -> memref<1x32x1024xf32, #tpu.memory_space<vmem>>
    %dma_wait3A_23 = tpu.memref_squeeze %dma_wait3A_22 : memref<1x32x1024xf32, #tpu.memory_space<vmem>> -> memref<32x1024xf32, #tpu.memory_space<vmem>>
    %dma_wait3A_24 = arith.constant 0 : i32
    %dma_wait3A_25 = tpu.memref_slice %arg4[%add3A_19, %dma_wait3A_24] : memref<32768x1024xf32, #tpu.memory_space<hbm>> -> memref<32x1024xf32, #tpu.memory_space<hbm>>
    %dma_wait3A_26 = arith.constant 0 : i32
    %dma_wait3A_27 = tpu.memref_slice %arg4[%add3A_19, %dma_wait3A_26] : memref<32768x1024xf32, #tpu.memory_space<hbm>> -> memref<32x1024xf32, #tpu.memory_space<hbm>>
    %dma_wait3A_28 = arith.constant 0 : i32
    %dma_wait3A_29 = arith.constant 0 : i32
    %dma_wait3A_30 = tpu.memref_slice %arg6[%dma_wait3A, %dma_wait3A_28, %dma_wait3A_29] : memref<3x32x1024xf32, #tpu.memory_space<vmem>> -> memref<1x32x1024xf32, #tpu.memory_space<vmem>>
    %dma_wait3A_31 = tpu.memref_squeeze %dma_wait3A_30 : memref<1x32x1024xf32, #tpu.memory_space<vmem>> -> memref<32x1024xf32, #tpu.memory_space<vmem>>
    tpu.wait_dma2 semaphore(%arg12 : memref<!tpu.dma_semaphore, #tpu.memory_space<semaphore_mem>>) src(%dma_wait3A_31 : memref<32x1024xf32, #tpu.memory_space<vmem>>) dst(%dma_wait3A_27 : memref<32x1024xf32, #tpu.memory_space<hbm>>)
    %add3A_32 = arith.constant 960 : i32
    %add3A_33 = arith.addi %mul3A_2, %add3A_32 : i32
    %dma_wait3A_34 = arith.constant 0 : i32
    %dma_wait3A_35 = arith.constant 0 : i32
    %dma_wait3A_36 = arith.constant 0 : i32
    %dma_wait3A_37 = tpu.memref_slice %arg6[%dma_wait3A_34, %dma_wait3A_35, %dma_wait3A_36] : memref<3x32x1024xf32, #tpu.memory_space<vmem>> -> memref<1x32x1024xf32, #tpu.memory_space<vmem>>
    %dma_wait3A_38 = tpu.memref_squeeze %dma_wait3A_37 : memref<1x32x1024xf32, #tpu.memory_space<vmem>> -> memref<32x1024xf32, #tpu.memory_space<vmem>>
    %dma_wait3A_39 = arith.constant 0 : i32
    %dma_wait3A_40 = tpu.memref_slice %arg4[%add3A_33, %dma_wait3A_39] : memref<32768x1024xf32, #tpu.memory_space<hbm>> -> memref<32x1024xf32, #tpu.memory_space<hbm>>
    %dma_wait3A_41 = arith.constant 0 : i32
    %dma_wait3A_42 = tpu.memref_slice %arg4[%add3A_33, %dma_wait3A_41] : memref<32768x1024xf32, #tpu.memory_space<hbm>> -> memref<32x1024xf32, #tpu.memory_space<hbm>>
    %dma_wait3A_43 = arith.constant 0 : i32
    %dma_wait3A_44 = arith.constant 0 : i32
    %dma_wait3A_45 = tpu.memref_slice %arg6[%dma_wait3A_34, %dma_wait3A_43, %dma_wait3A_44] : memref<3x32x1024xf32, #tpu.memory_space<vmem>> -> memref<1x32x1024xf32, #tpu.memory_space<vmem>>
    %dma_wait3A_46 = tpu.memref_squeeze %dma_wait3A_45 : memref<1x32x1024xf32, #tpu.memory_space<vmem>> -> memref<32x1024xf32, #tpu.memory_space<vmem>>
    tpu.wait_dma2 semaphore(%arg10 : memref<!tpu.dma_semaphore, #tpu.memory_space<semaphore_mem>>) src(%dma_wait3A_46 : memref<32x1024xf32, #tpu.memory_space<vmem>>) dst(%dma_wait3A_42 : memref<32x1024xf32, #tpu.memory_space<hbm>>)
    %add3A_47 = arith.constant 992 : i32
    %add3A_48 = arith.addi %mul3A_2, %add3A_47 : i32
    %dma_wait3A_49 = arith.constant 1 : i32
    %dma_wait3A_50 = arith.constant 0 : i32
    %dma_wait3A_51 = arith.constant 0 : i32
    %dma_wait3A_52 = tpu.memref_slice %arg6[%dma_wait3A_49, %dma_wait3A_50, %dma_wait3A_51] : memref<3x32x1024xf32, #tpu.memory_space<vmem>> -> memref<1x32x1024xf32, #tpu.memory_space<vmem>>
    %dma_wait3A_53 = tpu.memref_squeeze %dma_wait3A_52 : memref<1x32x1024xf32, #tpu.memory_space<vmem>> -> memref<32x1024xf32, #tpu.memory_space<vmem>>
    %dma_wait3A_54 = arith.constant 0 : i32
    %dma_wait3A_55 = tpu.memref_slice %arg4[%add3A_48, %dma_wait3A_54] : memref<32768x1024xf32, #tpu.memory_space<hbm>> -> memref<32x1024xf32, #tpu.memory_space<hbm>>
    %dma_wait3A_56 = arith.constant 0 : i32
    %dma_wait3A_57 = tpu.memref_slice %arg4[%add3A_48, %dma_wait3A_56] : memref<32768x1024xf32, #tpu.memory_space<hbm>> -> memref<32x1024xf32, #tpu.memory_space<hbm>>
    %dma_wait3A_58 = arith.constant 0 : i32
    %dma_wait3A_59 = arith.constant 0 : i32
    %dma_wait3A_60 = tpu.memref_slice %arg6[%dma_wait3A_49, %dma_wait3A_58, %dma_wait3A_59] : memref<3x32x1024xf32, #tpu.memory_space<vmem>> -> memref<1x32x1024xf32, #tpu.memory_space<vmem>>
    %dma_wait3A_61 = tpu.memref_squeeze %dma_wait3A_60 : memref<1x32x1024xf32, #tpu.memory_space<vmem>> -> memref<32x1024xf32, #tpu.memory_space<vmem>>
    tpu.wait_dma2 semaphore(%arg11 : memref<!tpu.dma_semaphore, #tpu.memory_space<semaphore_mem>>) src(%dma_wait3A_61 : memref<32x1024xf32, #tpu.memory_space<vmem>>) dst(%dma_wait3A_57 : memref<32x1024xf32, #tpu.memory_space<hbm>>)
    return
  }
}

</mosaic_0001>

<sc_bundles>
// kernel: kernel.3.cloned.1.call-start
scs
__scs_entry_jumppad:
0x0: {  	(pc) =	sbr.rel $0x88, $3  }
0x1: {  	(tag) =	ssettag $0x0;
	lr =	simm.s32 $0x1  }
0x2: {  	[smem:$0x3F9F] =	sst lr;
	_ =	strace $0xD0000000  }
0x3: {  	_ = 	snop  }
0x4: {  	_ = 	snop  }
0x5: {  	_ = 	snop  }
0x6: {  	_ = 	snop  }
0x7: {  	_ = 	snop  }
__scs_overlays_trampoline_lowered:
0x8: {  	[smem:$0x3FAE] =	sst s0  }
0x9: {  	[smem:$0x3FAF] =	sst s1  }
0xa: {  	[smem:$0x3FB0] =	sst s2  }
0xb: {  	[smem:$0x3FB1] =	sst s3  }
0xc: {  	[smem:$0x3FB2] =	sst s4  }
0xd: {  	[smem:$0x3FB3] =	sst s5  }
0xe: {  	[smem:$0x3FB4] =	sst s6  }
0xf: {  	[smem:$0x3FB5] =	sst s7  }
0x10: {  	[smem:$0x3FB6] =	sst s8  }
0x11: {  	[smem:$0x3FB7] =	sst s9;
	s0 =	simm.s32 @!p0 $0x0  }
0x12: {  	s1 =	sld [smem:$0x3F9D];
	s0 =	simm.s32 @p0 $0x1  }
0x13: {  	[smem:$0x3FB8] =	sst s0;
	s0 =	simm.s32 @!p1 $0x0  }
0x14: {  	s2 =	sld [smem:$0x3F9C];
	s0 =	simm.s32 @p1 $0x1  }
0x15: {  	[smem:$0x3FB9] =	sst s0;
	s0 =	simm.s32 @!p2 $0x0  }
0x16: {  	s3 =	sld [smem:$0x3FDB];
	s0 =	simm.s32 @p2 $0x1  }
0x17: {  	s4 =	simm.s32 $0x1BF5;
	[smem:$0x3FBB] =	sst s0  }
0x18: {  	s0 =	sld [smem:$0x3F9E];
	_ =	swait.ge [sflag:s4], $0x0  }
0x19: {  	s7 =	sld [smem:$0x3F9F]  }
0x1a: {  	s8 =	sadd.s32 $0xFFFFE003, lr  }
0x1b: {  	s9 =	sadd.s32 $0xFFFFFEF7, lr;
	s5 =	simm.s32 $0xFFFFFFFF;
	p2 =	slt.u32 s8, $0xFFFFF086  }
0x1c: {  	p1 =	slt.u32 s9, $0xF7A;
	s5 =	simm.s32 @!p2 $0x0  }
0x1d: {  	s5 =	simm.s32 @p1 $0x1;
	p0 =	seq.s32 s7, s2  }
0x1e: {  	s7 =	smul.u32 @!p0 $0xF7A, s2;
	p2 =	seq.s32 @!p0 s5, $0x0  }
0x1f: {  	s9 =	smul.u32 $0xF7A, s1;
	s8 =	simm.s32 @!p0 $0x1BF5;
	p2 =	por !p2, p0  }
0x20: {  	[sflag:s8] =	ssyncset.s32 @!p0 $0xFFFFF086;
	s6 =	sadd.s32 @!p0 s3, s7;
	s7 =	simm.s32 @!p0 $0x108  }
0x21: {  	s3 =	sadd.s32 s3, s9;
	s6 =	sadd.s32 @!p0 $0x88, s6;
	s7 =	simm.s32 @p2 $0x1082  }
0x22: {  	[simem:s7], [sflag:s8] =	dma.local @!p0 [hbm:s6], $0xF7A  }
0x23: {  	s9 =	sor.u32 $0xD0000000, s2;
	s6 =	simm.s32 $0x108;
	_ =	swait.ge @!p0 [sflag:s8], $0x0  }
0x24: {  	s3 =	sadd.s32 $0x88, s3;
	s6 =	simm.s32 @!p1 $0x1082;
	[sflag:s4] =	ssyncset.s32 $0xFFFFF086  }
0x25: {  	[simem:s6], [sflag:s4] =	dma.local [hbm:s3], $0xF7A  }
0x26: {  	[smem:$0x3F9F] =	sst s1;
	(tag) =	ssettag s2;
	_ =	strace s9  }
0x27: {  	s1 =	sld [smem:$0x3FAF]  }
0x28: {  	s2 =	sld [smem:$0x3FB0]  }
0x29: {  	s4 =	sld [smem:$0x3FB2]  }
0x2a: {  	p0 =	seq.s32 s5, $0x0;
	s5 =	sld [smem:$0x3FB3]  }
0x2b: {  	s6 =	sld [smem:$0x3FB4]  }
0x2c: {  	s7 =	sld [smem:$0x3FB5]  }
0x2d: {  	s3 =	simm.s32 $0x108;
	s8 =	sld [smem:$0x3FB6]  }
0x2e: {  	s3 =	simm.s32 @!p0 $0x1082;
	s9 =	sld [smem:$0x3FB7]  }
0x2f: {  	lr =	sadd.s32 s0, s3;
	s0 =	sld [smem:$0x3FAE]  }
0x30: {  	s3 =	sld [smem:$0x3FB1]  }
0x31: {  	[smem:$0x3FBA] =	sst s10  }
0x32: {  	s10 =	sld [smem:$0x3FB8];
	_ =	sdelay $0x3  }
0x33: {  	p0 =	seq.s32 s10, $0x1;
	s10 =	sld [smem:$0x3FBA];
	_ =	sdelay $0x3  }
0x34: {  	[smem:$0x3FBA] =	sst s10  }
0x35: {  	s10 =	sld [smem:$0x3FB9];
	_ =	sdelay $0x3  }
0x36: {  	p1 =	seq.s32 s10, $0x1;
	s10 =	sld [smem:$0x3FBA];
	_ =	sdelay $0x3  }
0x37: {  	[smem:$0x3FBA] =	sst s10  }
0x38: {  	s10 =	sld [smem:$0x3FBB]  }
0x39: {  	_ = 	snop;
	(pc) =	sbr.ind lr, $3  }
0x3a: {  	_ = 	snop  }
0x3b: {  	_ = 	snop  }
0x3c: {  	p2 =	seq.s32 s10, $0x1;
	s10 =	sld [smem:$0x3FBA]  }
0x3d: {  	_ =	shalt  }
0x3e: {  	_ =	shalt  }
0x3f: {  	_ =	shalt  }
0x40: {  	_ =	shalt  }
0x41: {  	_ =	shalt  }
0x42: {  	_ =	shalt  }
0x43: {  	_ =	shalt  }
0x44: {  	_ =	shalt  }
0x45: {  	_ =	shalt  }
0x46: {  	_ =	shalt  }
0x47: {  	_ =	shalt  }
0x48: {  	_ =	shalt  }
0x49: {  	_ =	shalt  }
0x4a: {  	_ =	shalt  }
0x4b: {  	_ =	shalt  }
0x4c: {  	_ =	shalt  }
0x4d: {  	_ =	shalt  }
0x4e: {  	_ =	shalt  }
0x4f: {  	_ =	shalt  }
0x50: {  	_ =	shalt  }
0x51: {  	_ =	shalt  }
0x52: {  	_ =	shalt  }
0x53: {  	_ =	shalt  }
0x54: {  	_ =	shalt  }
0x55: {  	_ =	shalt  }
0x56: {  	_ =	shalt  }
0x57: {  	_ =	shalt  }
0x58: {  	_ =	shalt  }
0x59: {  	_ =	shalt  }
0x5a: {  	_ =	shalt  }
0x5b: {  	_ =	shalt  }
0x5c: {  	_ =	shalt  }
0x5d: {  	_ =	shalt  }
0x5e: {  	_ =	shalt  }
0x5f: {  	_ =	shalt  }
0x60: {  	_ =	shalt  }
0x61: {  	_ =	shalt  }
0x62: {  	_ =	shalt  }
0x63: {  	_ =	shalt  }
0x64: {  	_ =	shalt  }
0x65: {  	_ =	shalt  }
0x66: {  	_ =	shalt  }
0x67: {  	_ =	shalt  }
0x68: {  	_ =	shalt  }
0x69: {  	_ =	shalt  }
0x6a: {  	_ =	shalt  }
0x6b: {  	_ =	shalt  }
0x6c: {  	_ =	shalt  }
0x6d: {  	_ =	shalt  }
0x6e: {  	_ =	shalt  }
0x6f: {  	_ =	shalt  }
0x70: {  	_ =	shalt  }
0x71: {  	_ =	shalt  }
0x72: {  	_ =	shalt  }
0x73: {  	_ =	shalt  }
0x74: {  	_ =	shalt  }
0x75: {  	_ =	shalt  }
0x76: {  	_ =	shalt  }
0x77: {  	_ =	shalt  }
0x78: {  	_ =	shalt  }
0x79: {  	_ =	shalt  }
0x7a: {  	_ =	shalt  }
0x7b: {  	_ =	shalt  }
0x7c: {  	_ =	shalt  }
0x7d: {  	_ =	shalt  }
0x7e: {  	_ =	shalt  }
0x7f: {  	_ =	shalt  }
0x80: {  	_ =	shalt  }
0x81: {  	_ =	shalt  }
0x82: {  	_ =	shalt  }
0x83: {  	_ =	shalt  }
0x84: {  	_ =	shalt  }
0x85: {  	_ =	shalt  }
0x86: {  	_ =	shalt  }
0x87: {  	_ =	shalt  }
.Lfunc_end0:
.L_simem_size_0:
called_computation_lowered:
.L_overlay_start_0:
0x88: {  	s2 =	sld [smem:$0x3FD9]  }
0x89: {  	s3 =	sld [smem:$0x3FFE];
	_ =	sdelay $0x1  }
0x8a: {  	s1 =	srdreg.scid  }
0x8b: {  	s0 =	sand.u32 $0x1, s1  }
0x8c: {  	s17 =	sshll.u32 s0, $0xA;
	s2 =	sadd.s32 s3, s2  }
0x8d: {  	s2 =	sadd.s32 s2, s17  }
0x8e: {  	[smem:$0x3FC6] =	sst s2  }
0x8f: {  	_ = 	snop  }
0x90: {  	s2 =	sld [smem:$0x3FC8]  }
0x91: {  	s18 =	sld [smem:$0x3FD0];
	(tm) =	ssettm $0x1  }
0x92: {  	s4 =	sld [smem:$0x3FFB];
	_ =	sdelay $0x3  }
0x93: {  	_ =	strace s4  }
0x94: {  	s4 =	sld [smem:$0x3FFC];
	_ =	sdelay $0x3  }
0x95: {  	_ =	strace s4  }
0x96: {  	s4 =	sld [smem:$0x3FFD];
	_ =	sdelay $0x3  }
0x97: {  	_ =	strace s4  }
0x98: {  	_ =	strace $0x8FFFFFFF  }
0x99: {  	s19 =	sld [smem:$0x3FDB];
	_ =	sdelay $0x1  }
0x9a: {  	s5 =	simm.s32 $_scs_section_size  }
0x9b: {  	s6 =	simm.s32 $_size__tile_overlayer_lowered;
	s7 =	simm.s32 $_tile_overlayer_lowered  }
0x9c: {  	s22 =	simm.s32 $0x1BFF;
	s21 =	sshll.u32 s7, $0x1;
	s4 =	sadd.s32 s5, s19  }
0x9d: {  	s8 =	simm.s32 $0x0;
	s20 =	sshll.u32 s6, $0x1;
	s6 =	sadd.s32 s21, s4  }
0x9e: {  	[timem:s8], [sflag:s22] =	dma.local [hbm:s6], s20  }
0x9f: {  	_ =	swait.ge [sflag:s22], s20  }
0xa0: {  	s5 =	ssub.s32 $0x0, s20;
	[sflag:s22] =	ssyncset.done $0x0  }
0xa1: {  	[sflag:s22] =	ssyncadd.s32 s5;
	_ =	sdelay $0x1  }
0xa2: {  	s23 =	simm.s32 $0x1B8B  }
0xa3: {  	_ =	swait.ge [sflag:s23], $0x1  }
0xa4: {  	[sflag:s23] =	ssyncset.done $0x0  }
0xa5: {  	s25 =	simm.s32 $0x1B8E;
	s24 =	sld [smem:$0x3FFE];
	[sflag:s23] =	ssyncadd.s32 $0xFFFFFFFF  }
0xa6: {  	s26 =	simm.s32 $execute0_lowered;
	[smem:$0x3FD2] =	sst s25  }
0xa7: {  	s6 =	sshll.u32 s26, $0x1;
	_ =	strace $0x80000046;
	[dreg:$0x1] =	wrdreg $0xFFFFFFFF  }
0xa8: {  	s28 =	simm.s32 $_size_execute0_lowered;
	s4 =	sadd.s32 s4, s6;
	[dreg:$0x0] =	wrdreg $0x0  }
0xa9: {  	s6 =	sshll.u32 s28, $0x1;
	[dreg:$0x2] =	wrdreg s4  }
0xaa: {  	[dreg:$0x3] =	wrdreg s6  }
0xab: {  	[dreg:$0x4] =	wrdreg $0xC0  }
0xac: {  	_ =	task [dreg:s8], $0x5FFFF  }
0xad: {  	[dreg:$0x1] =	wrdreg $0xFFFFFFFF  }
0xae: {  	[dreg:$0x0] =	wrdreg $0x60  }
0xaf: {  	[dreg:$0x2] =	wrdreg s24  }
0xb0: {  	[dreg:$0x3] =	wrdreg s2  }
0xb1: {  	[dreg:$0x4] =	wrdreg s18  }
0xb2: {  	[dreg:$0x5] =	wrdreg $0x9  }
0xb3: {  	_ =	task.clear_ibuf [dreg:s8], $0x6FFFF;
	_ =	strace $0x90000046  }
0xb4: {  	s29 =	simm.s32 $0x9;
	_ =	strace $0x80000048  }
0xb5: {  	_ =	swait.ge [sflag:s29], $0x1  }
0xb6: {  	[sflag:s29] =	ssyncadd.s32 $0xFFFFFFFF  }
0xb7: {  	_ =	strace $0x90000048  }
0xb8: {  	_ =	sfence  }
0xb9: {  	s30 =	sld [smem:$0x0];
	_ =	sdelay $0x2  }
0xba: {  	s31 =	sshll.u32 s1, $0xD;
	s1 =	sshrl.u32 s1, $0x2  }
0xbb: {  	s3 =	sand.u32 $0x4000, s31;
	s1 =	sadd.s32 s1, s30  }
0xbc: {  	s0 =	sor.u32 s3, s0;
	s1 =	sshll.u32 s1, $0x11  }
0xbd: {  	s0 =	sor.u32 s1, s0  }
0xbe: {  	s0 =	sadd.s32 $0x8F2B, s0  }
0xbf: {  	[sflag:s0] =	ssyncadd.remote.s32 $0x1  }
0xc0: {  	_ =	sfence.sel $0xFFFF  }
0xc1: {  	[dreg:$0x0] =	wrdreg $0xFFFFFFFF;
	(pc) =	sbr.abs _section_cstart, $3  }
0xc2: {  	[dreg:$0x1] =	wrdreg $0xFFFFFFFF  }
0xc3: {  	_ =	task.clear_ibuf [dreg:s8], $0x2FFFF;
	_ =	strace $0x9FFFFFFF  }
0xc4: {  	(tm) =	ssettm $0x7FFFFFFF  }
0xc5: {  	_ =	shalt  }
tec
execute0_lowered:
.L_overlay_start_1:
0x0: {  	(tag) =	ssettag $0x1  }
0x1: {  	s0 =	rddreg [dreg:$0x0]  }
0x2: {  	s2 =	rddreg [dreg:$0x1]  }
0x3: {  	s1 =	rddreg [dreg:$0x2]  }
0x4: {  	s3 =	srdreg.scid;
	s9 =	stileid.u32  }
0x5: {  	s11 =	simm.s32 $0x1000;
	s16 =	simm.s32 $0x3800;
	s17 =	simm.s32 $0x4000  }
0x6: {  	s18 =	simm.s32 $0x4800;
	s19 =	simm.s32 $0x5000;
	s20 =	simm.s32 $0x5800  }
0x7: {  	s21 =	simm.s32 $0x6000;
	s22 =	simm.s32 $0x6800;
	s23 =	simm.s32 $0x7000  }
0x8: {  	s28 =	simm.s32 $0x2;
	s29 =	simm.s32 $0x9000;
	s31 =	simm.s32 $0xF800  }
0x9: {  	s12 =	simm.s32 $0x0;
	s4 =	sand.u32 $0x1, s3;
	s3 =	simm.s32 $0x0  }
0xa: {  	s5 =	sshll.u32 s9, $0xA;
	s7 =	sadd.s32 $0x300, s2;
	s26 =	sshll.u32 s9, $0x12  }
0xb: {  	s9 =	simm.s32 $0x1;
	s6 =	sshll.u32 s4, $0x9;
	[smem:$0x7FF] =	sst s3  }
0xc: {  	s24 =	ssub.s32 $0x2, s4;
	s30 =	sshll.u32 s4, $0x11;
	s4 =	simm.s32 $0x10800  }
0xd: {  	s5 =	sor.u32 s6, s5;
	_ =	strace $0x80000047;
	s25 =	sshrl.u32 s24, $0x1  }
0xe: {  	s6 =	sadd.s32 $0x200, s2;
	s0 =	sadd.s32 s5, s0;
	s8 =	ssub.s32 s24, s25  }
.Ltmp0:
0xf: {  	s5 =	sadd.s32 $0x100, s2;
	s0 =	sadd.s32 $0x400, s0;
	(pc) =	sbr.rel .LBB2_1-.Ltmp0, $4  }
0x10: {  	s24 =	simm.s32 $0x7800;
	s8 =	smax.u32 s8, $0x1;
	[dreg:$0x4] =	wrdreg s0  }
0x11: {  	v2 =	vlaneseq.u32;
	s25 =	simm.s32 $0x8000;
	[dreg:$0x5] =	wrdreg s8;
	s0 =	sadd.s32 s26, s1  }
0x12: {  	vm0 =	vmmov $0xffff;
	v1 =	vshrl.u32 v2, $0x3;
	s26 =	simm.s32 $0x8800;
	s1 =	simm.s32 $0x11000;
	s0 =	sadd.s32 s30, s0  }
0x13: {  	v0 =	vand.u32 $0x7, v2;
	v2 =	vor.u32 $0x8, v2;
	v1 =	vmul.u32 $0x8, v1;
	s8 =	simm.s32 $0x3;
	[dreg:$0x6] =	wrdreg s0;
	s0 =	simm.s32 $0x10000  }
.LBB2_14:
0x14: {  	s10 =	simm.s32 $0x6  }
0x15: {  	_ =	swait.ge [sflag:s10], $0x8000  }
0x16: {  	[sflag:s10] =	ssyncset.done $0x0  }
0x17: {  	s15 =	simm.s32 $0x4;
	[sflag:s10] =	ssyncadd.s32 $0xFFFF8000  }
0x18: {  	_ =	swait.ge [sflag:s15], $0x8000  }
0x19: {  	[sflag:s15] =	ssyncset.done $0x0  }
0x1a: {  	s13 =	simm.s32 $0x5;
	[sflag:s15] =	ssyncadd.s32 $0xFFFF8000  }
0x1b: {  	_ =	swait.ge [sflag:s13], $0x8000  }
0x1c: {  	s12 =	sadd.s32 $0x1, s12;
	s30 =	rddreg [dreg:$0x5]  }
0x1d: {  	p0 =	sne.s32 s12, s30  }
.Ltmp1:
0x1e: {  	_ = 	snop;
	(pc) =	sbr.rel @!p0 .LBB2_15-.Ltmp1, $3  }
0x1f: {  	_ =	sdelay $0x1  }
0x20: {  	[sflag:s13] =	ssyncset.done $0x0  }
0x21: {  	[sflag:s13] =	ssyncadd.s32 $0xFFFF8000  }
.LBB2_1:
0x22: {  	s10 =	rddreg [dreg:$0x4];
	s30 =	simm.s32 $0x7  }
0x23: {  	[tilespmem:s3], [sflag:$0x7] =	stream.linear.gather [hbm4b:s10+s3], $0x1000, $0x38;
	[tilespmem:$0x19000] =	vst v63  }
0x24: {  	_ =	swait.ge [sflag:s30], $0x1000  }
0x25: {  	[sflag:s30] =	ssyncset.done $0x0  }
0x26: {  	[sflag:s30] =	ssyncadd.s32 $0xFFFFF000  }
0x27: {  	v3 =	vld [tilespmem:$0x0];
	_ =	sdelay $0x4  }
0x28: {  	v4 =	vshll.u32 v3, $0x3  }
0x29: {  	v3 =	vand.u32 $0x7, v3;
	v4 =	vand.u32 $0xFFFFFFC0, v4  }
0x2a: {  	v3 =	vor.u32 v3, v4  }
0x2b: {  	v4 =	vperm.xlane v3, v0;
	_ =	sdelay $0x1  }
0x2c: {  	v4 =	vadd.s32 v1, v4;
	_ =	sdelay $0x4  }
0x2d: {  	[tilespmem:s11], [sflag:$0x1] =	stream.indirect_vreg.gather [hbm4b:s2+s3], $0x80, v4, vm0, $0xb8;
	[tilespmem:$0x19000] =	vst v63  }
0x2e: {  	s13 =	simm.s32 $0x1800;
	v3 =	vperm.xlane v3, v2  }
0x2f: {  	[tilespmem:s13], [sflag:$0x1] =	stream.indirect_vreg.gather [hbm4b:s5+s3], $0x80, v4, vm0, $0xb8;
	[tilespmem:$0x19000] =	vst v63  }
0x30: {  	s14 =	simm.s32 $0x2000;
	v3 =	vadd.s32 v1, v3  }
0x31: {  	[tilespmem:s14], [sflag:$0x1] =	stream.indirect_vreg.gather [hbm4b:s6+s3], $0x80, v4, vm0, $0xb8;
	[tilespmem:$0x19000] =	vst v63  }
0x32: {  	s15 =	simm.s32 $0x2800  }
0x33: {  	[tilespmem:s15], [sflag:$0x1] =	stream.indirect_vreg.gather [hbm4b:s7+s3], $0x80, v4, vm0, $0xb8;
	[tilespmem:$0x19000] =	vst v63  }
0x34: {  	s30 =	simm.s32 $0x3000  }
0x35: {  	[tilespmem:s30], [sflag:$0x1] =	stream.indirect_vreg.gather [hbm4b:s2+s3], $0x80, v3, vm0, $0xb8;
	[tilespmem:$0x19000] =	vst v63  }
0x36: {  	_ = 	snop  }
0x37: {  	[tilespmem:s16], [sflag:$0x1] =	stream.indirect_vreg.gather [hbm4b:s5+s3], $0x80, v3, vm0, $0xb8;
	[tilespmem:$0x19000] =	vst v63  }
0x38: {  	_ = 	snop  }
0x39: {  	[tilespmem:s17], [sflag:$0x1] =	stream.indirect_vreg.gather [hbm4b:s6+s3], $0x80, v3, vm0, $0xb8;
	[tilespmem:$0x19000] =	vst v63  }
0x3a: {  	_ = 	snop  }
0x3b: {  	[tilespmem:s18], [sflag:$0x1] =	stream.indirect_vreg.gather [hbm4b:s7+s3], $0x80, v3, vm0, $0xb8;
	[tilespmem:$0x19000] =	vst v63  }
0x3c: {  	v3 =	vld [tilespmem:$0x10];
	_ =	sdelay $0x4  }
0x3d: {  	v63 =	vshll.u32 v3, $0x3  }
0x3e: {  	v3 =	vand.u32 $0x7, v3;
	v4 =	vand.u32 $0xFFFFFFC0, v63  }
0x3f: {  	v3 =	vor.u32 v3, v4  }
0x40: {  	v4 =	vperm.xlane v3, v0;
	_ =	sdelay $0x1  }
0x41: {  	v4 =	vadd.s32 v1, v4;
	_ =	sdelay $0x4  }
0x42: {  	[tilespmem:s19], [sflag:$0x1] =	stream.indirect_vreg.gather [hbm4b:s2+s3], $0x80, v4, vm0, $0xb8;
	[tilespmem:$0x19000] =	vst v63  }
0x43: {  	v3 =	vperm.xlane v3, v2  }
0x44: {  	[tilespmem:s20], [sflag:$0x1] =	stream.indirect_vreg.gather [hbm4b:s5+s3], $0x80, v4, vm0, $0xb8;
	[tilespmem:$0x19000] =	vst v63  }
0x45: {  	v3 =	vadd.s32 v1, v3  }
0x46: {  	[tilespmem:s21], [sflag:$0x1] =	stream.indirect_vreg.gather [hbm4b:s6+s3], $0x80, v4, vm0, $0xb8;
	[tilespmem:$0x19000] =	vst v63  }
0x47: {  	_ = 	snop  }
0x48: {  	[tilespmem:s22], [sflag:$0x1] =	stream.indirect_vreg.gather [hbm4b:s7+s3], $0x80, v4, vm0, $0xb8;
	[tilespmem:$0x19000] =	vst v63  }
0x49: {  	_ = 	snop  }
0x4a: {  	[tilespmem:s23], [sflag:$0x1] =	stream.indirect_vreg.gather [hbm4b:s2+s3], $0x80, v3, vm0, $0xb8;
	[tilespmem:$0x19000] =	vst v63  }
0x4b: {  	_ = 	snop  }
0x4c: {  	[tilespmem:s24], [sflag:$0x1] =	stream.indirect_vreg.gather [hbm4b:s5+s3], $0x80, v3, vm0, $0xb8;
	[tilespmem:$0x19000] =	vst v63  }
.Ltmp2:
0x4d: {  	_ = 	snop;
	(pc) =	sbr.rel .LBB2_2-.Ltmp2, $4  }
0x4e: {  	_ = 	snop  }
0x4f: {  	[tilespmem:s25], [sflag:$0x1] =	stream.indirect_vreg.gather [hbm4b:s6+s3], $0x80, v3, vm0, $0xb8;
	[tilespmem:$0x19000] =	vst v63  }
0x50: {  	s10 =	simm.s32 $0x90;
	s13 =	rddreg [dreg:$0x6];
	s14 =	simm.s32 $0x0  }
0x51: {  	[tilespmem:s26], [sflag:$0x1] =	stream.indirect_vreg.gather [hbm4b:s7+s3], $0x80, v3, vm0, $0xb8;
	[tilespmem:$0x19000] =	vst v63  }
.LBB2_11:
0x52: {  	_ =	swait.ge [sflag:s28], $0x8000  }
0x53: {  	[sflag:s28] =	ssyncset.done $0x0  }
0x54: {  	[sflag:s28] =	ssyncadd.s32 $0xFFFF8000  }
0x55: {  	[hbm4b:s13+s3] =	stream.linear.scatter [tilespmem:s29], [sflag:$0x5], $0x8000, $0x38;
	[tilespmem:$0x19000] =	vst v63  }
.LBB2_13:
0x56: {  	p0 =	sne.s32 s14, $0x20  }
.Ltmp3:
0x57: {  	_ = 	snop;
	(pc) =	sbr.rel @!p0 .LBB2_14-.Ltmp3, $2  }
0x58: {  	_ =	sdelay $0x2  }
0x59: {  	s13 =	sadd.s32 $0x1000, s13;
	s10 =	sadd.s32 $0x80, s10  }
.LBB2_2:
0x5a: {  	p0 =	seq.s32 s14, $0x1F  }
.Ltmp4:
0x5b: {  	_ = 	snop;
	(pc) =	sbr.rel @p0 .LBB2_11-.Ltmp4, $2  }
0x5c: {  	_ =	sdelay $0x2  }
0x5d: {  	s30 =	smov.u32 s14;
	s14 =	sadd.s32 $0x1, s14  }
0x5e: {  	s15 =	smul.u32 $0xAB, s14;
	_ =	sdelay $0x1  }
0x5f: {  	s15 =	sshrl.u32 s15, $0x9  }
0x60: {  	s15 =	sand.u32 $0x7F, s15  }
0x61: {  	s15 =	smul.u32 $0x3, s15;
	_ =	sdelay $0x1  }
0x62: {  	s15 =	ssub.s32 s14, s15  }
0x63: {  	s15 =	sand.u32 $0xFF, s15  }
0x64: {  	p0 =	seq.s32 s15, $0x2  }
.Ltmp5:
0x65: {  	_ = 	snop;
	(pc) =	sbr.rel @p0 .LBB2_7-.Ltmp5, $1  }
0x66: {  	_ =	sdelay $0x3  }
0x67: {  	p0 =	seq.s32 s15, $0x1  }
.Ltmp6:
0x68: {  	_ = 	snop;
	(pc) =	sbr.rel @!p0 .LBB2_5-.Ltmp6, $1  }
0x69: {  	_ =	sdelay $0x3  }
0x6a: {  	p0 =	slt.u32 s30, $0x2  }
0x6b: {  	s15 =	simm.s32 @!p0 $0x5  }
0x6c: {  	_ =	swait.ge @!p0 [sflag:s15], $0x8000  }
0x6d: {  	[sflag:s15] =	ssyncset.done @!p0 $0x0  }
0x6e: {  	[sflag:s15] =	ssyncadd.s32 @!p0 $0xFFFF8000  }
0x6f: {  	v3 =	vld [tilespmem:s10+$0xFFFFFFF0];
	_ =	sdelay $0x4  }
0x70: {  	v4 =	vshll.u32 v3, $0x3  }
0x71: {  	v3 =	vand.u32 $0x7, v3;
	v4 =	vand.u32 $0xFFFFFFC0, v4  }
0x72: {  	v3 =	vor.u32 v3, v4  }
0x73: {  	v4 =	vperm.xlane v3, v0;
	_ =	sdelay $0x1  }
0x74: {  	v4 =	vadd.s32 v1, v4;
	_ =	sdelay $0x4  }
0x75: {  	[tilespmem:s29], [sflag:$0x2] =	stream.indirect_vreg.gather [hbm4b:s2+s3], $0x80, v4, vm0, $0xb8;
	[tilespmem:$0x19000] =	vst v63  }
0x76: {  	s15 =	simm.s32 $0x9800;
	v3 =	vperm.xlane v3, v2  }
0x77: {  	[tilespmem:s15], [sflag:$0x2] =	stream.indirect_vreg.gather [hbm4b:s5+s3], $0x80, v4, vm0, $0xb8;
	[tilespmem:$0x19000] =	vst v63  }
0x78: {  	v3 =	vadd.s32 v1, v3;
	s15 =	simm.s32 $0xA000  }
0x79: {  	[tilespmem:s15], [sflag:$0x2] =	stream.indirect_vreg.gather [hbm4b:s6+s3], $0x80, v4, vm0, $0xb8;
	[tilespmem:$0x19000] =	vst v63  }
0x7a: {  	s15 =	simm.s32 $0xA800  }
0x7b: {  	[tilespmem:s15], [sflag:$0x2] =	stream.indirect_vreg.gather [hbm4b:s7+s3], $0x80, v4, vm0, $0xb8;
	[tilespmem:$0x19000] =	vst v63  }
0x7c: {  	s15 =	simm.s32 $0xB000  }
0x7d: {  	[tilespmem:s15], [sflag:$0x2] =	stream.indirect_vreg.gather [hbm4b:s2+s3], $0x80, v3, vm0, $0xb8;
	[tilespmem:$0x19000] =	vst v63  }
0x7e: {  	s15 =	simm.s32 $0xB800  }
0x7f: {  	[tilespmem:s15], [sflag:$0x2] =	stream.indirect_vreg.gather [hbm4b:s5+s3], $0x80, v3, vm0, $0xb8;
	[tilespmem:$0x19000] =	vst v63  }
0x80: {  	s15 =	simm.s32 $0xC000  }
0x81: {  	[tilespmem:s15], [sflag:$0x2] =	stream.indirect_vreg.gather [hbm4b:s6+s3], $0x80, v3, vm0, $0xb8;
	[tilespmem:$0x19000] =	vst v63  }
0x82: {  	s15 =	simm.s32 $0xC800  }
0x83: {  	[tilespmem:s15], [sflag:$0x2] =	stream.indirect_vreg.gather [hbm4b:s7+s3], $0x80, v3, vm0, $0xb8;
	[tilespmem:$0x19000] =	vst v63  }
0x84: {  	v3 =	vld [tilespmem:s10+$0x0];
	_ =	sdelay $0x4  }
0x85: {  	v63 =	vshll.u32 v3, $0x3  }
0x86: {  	v3 =	vand.u32 $0x7, v3;
	v4 =	vand.u32 $0xFFFFFFC0, v63  }
0x87: {  	v3 =	vor.u32 v3, v4  }
0x88: {  	v4 =	vperm.xlane v3, v0;
	_ =	sdelay $0x1  }
0x89: {  	v4 =	vadd.s32 v1, v4;
	_ =	sdelay $0x3  }
0x8a: {  	s15 =	simm.s32 $0xD000  }
0x8b: {  	[tilespmem:s15], [sflag:$0x2] =	stream.indirect_vreg.gather [hbm4b:s2+s3], $0x80, v4, vm0, $0xb8;
	[tilespmem:$0x19000] =	vst v63  }
0x8c: {  	v3 =	vperm.xlane v3, v2;
	s15 =	simm.s32 $0xD800  }
0x8d: {  	[tilespmem:s15], [sflag:$0x2] =	stream.indirect_vreg.gather [hbm4b:s5+s3], $0x80, v4, vm0, $0xb8;
	[tilespmem:$0x19000] =	vst v63  }
0x8e: {  	v3 =	vadd.s32 v1, v3;
	s15 =	simm.s32 $0xE000  }
0x8f: {  	[tilespmem:s15], [sflag:$0x2] =	stream.indirect_vreg.gather [hbm4b:s6+s3], $0x80, v4, vm0, $0xb8;
	[tilespmem:$0x19000] =	vst v63  }
0x90: {  	s15 =	simm.s32 $0xE800  }
0x91: {  	[tilespmem:s15], [sflag:$0x2] =	stream.indirect_vreg.gather [hbm4b:s7+s3], $0x80, v4, vm0, $0xb8;
	[tilespmem:$0x19000] =	vst v63  }
0x92: {  	s15 =	simm.s32 $0xF000  }
0x93: {  	[tilespmem:s15], [sflag:$0x2] =	stream.indirect_vreg.gather [hbm4b:s2+s3], $0x80, v3, vm0, $0xb8;
	[tilespmem:$0x19000] =	vst v63  }
0x94: {  	_ = 	snop  }
0x95: {  	[tilespmem:s31], [sflag:$0x2] =	stream.indirect_vreg.gather [hbm4b:s5+s3], $0x80, v3, vm0, $0xb8;
	[tilespmem:$0x19000] =	vst v63  }
.Ltmp7:
0x96: {  	_ = 	snop;
	(pc) =	sbr.rel .LBB2_8-.Ltmp7, $4  }
0x97: {  	_ = 	snop  }
0x98: {  	[tilespmem:s0], [sflag:$0x2] =	stream.indirect_vreg.gather [hbm4b:s6+s3], $0x80, v3, vm0, $0xb8;
	[tilespmem:$0x19000] =	vst v63  }
0x99: {  	_ = 	snop  }
0x9a: {  	[tilespmem:s4], [sflag:$0x2] =	stream.indirect_vreg.gather [hbm4b:s7+s3], $0x80, v3, vm0, $0xb8;
	[tilespmem:$0x19000] =	vst v63  }
.LBB2_7:
0x9b: {  	p0 =	slt.u32 s30, $0x2  }
0x9c: {  	s15 =	simm.s32 @!p0 $0x6  }
0x9d: {  	_ =	swait.ge @!p0 [sflag:s15], $0x8000  }
0x9e: {  	[sflag:s15] =	ssyncset.done @!p0 $0x0  }
0x9f: {  	[sflag:s15] =	ssyncadd.s32 @!p0 $0xFFFF8000  }
0xa0: {  	v3 =	vld [tilespmem:s10+$0xFFFFFFF0];
	_ =	sdelay $0x4  }
0xa1: {  	v4 =	vshll.u32 v3, $0x3  }
0xa2: {  	v3 =	vand.u32 $0x7, v3;
	v4 =	vand.u32 $0xFFFFFFC0, v4  }
0xa3: {  	v3 =	vor.u32 v3, v4  }
0xa4: {  	v4 =	vperm.xlane v3, v0;
	_ =	sdelay $0x1  }
0xa5: {  	v4 =	vadd.s32 v1, v4;
	_ =	sdelay $0x4  }
0xa6: {  	[tilespmem:s1], [sflag:$0x3] =	stream.indirect_vreg.gather [hbm4b:s2+s3], $0x80, v4, vm0, $0xb8;
	[tilespmem:$0x19000] =	vst v63  }
0xa7: {  	s15 =	simm.s32 $0x11800;
	v3 =	vperm.xlane v3, v2  }
0xa8: {  	[tilespmem:s15], [sflag:$0x3] =	stream.indirect_vreg.gather [hbm4b:s5+s3], $0x80, v4, vm0, $0xb8;
	[tilespmem:$0x19000] =	vst v63  }
0xa9: {  	v3 =	vadd.s32 v1, v3;
	s15 =	simm.s32 $0x12000  }
0xaa: {  	[tilespmem:s15], [sflag:$0x3] =	stream.indirect_vreg.gather [hbm4b:s6+s3], $0x80, v4, vm0, $0xb8;
	[tilespmem:$0x19000] =	vst v63  }
0xab: {  	s15 =	simm.s32 $0x12800  }
0xac: {  	[tilespmem:s15], [sflag:$0x3] =	stream.indirect_vreg.gather [hbm4b:s7+s3], $0x80, v4, vm0, $0xb8;
	[tilespmem:$0x19000] =	vst v63  }
0xad: {  	s15 =	simm.s32 $0x13000  }
0xae: {  	[tilespmem:s15], [sflag:$0x3] =	stream.indirect_vreg.gather [hbm4b:s2+s3], $0x80, v3, vm0, $0xb8;
	[tilespmem:$0x19000] =	vst v63  }
0xaf: {  	s15 =	simm.s32 $0x13800  }
0xb0: {  	[tilespmem:s15], [sflag:$0x3] =	stream.indirect_vreg.gather [hbm4b:s5+s3], $0x80, v3, vm0, $0xb8;
	[tilespmem:$0x19000] =	vst v63  }
0xb1: {  	s15 =	simm.s32 $0x14000  }
0xb2: {  	[tilespmem:s15], [sflag:$0x3] =	stream.indirect_vreg.gather [hbm4b:s6+s3], $0x80, v3, vm0, $0xb8;
	[tilespmem:$0x19000] =	vst v63  }
0xb3: {  	s15 =	simm.s32 $0x14800  }
0xb4: {  	[tilespmem:s15], [sflag:$0x3] =	stream.indirect_vreg.gather [hbm4b:s7+s3], $0x80, v3, vm0, $0xb8;
	[tilespmem:$0x19000] =	vst v63  }
0xb5: {  	v3 =	vld [tilespmem:s10+$0x0];
	_ =	sdelay $0x4  }
0xb6: {  	v63 =	vshll.u32 v3, $0x3  }
0xb7: {  	v3 =	vand.u32 $0x7, v3;
	v4 =	vand.u32 $0xFFFFFFC0, v63  }
0xb8: {  	v3 =	vor.u32 v3, v4  }
0xb9: {  	v4 =	vperm.xlane v3, v0;
	_ =	sdelay $0x1  }
0xba: {  	v4 =	vadd.s32 v1, v4;
	_ =	sdelay $0x3  }
0xbb: {  	s15 =	simm.s32 $0x15000  }
0xbc: {  	[tilespmem:s15], [sflag:$0x3] =	stream.indirect_vreg.gather [hbm4b:s2+s3], $0x80, v4, vm0, $0xb8;
	[tilespmem:$0x19000] =	vst v63  }
0xbd: {  	v3 =	vperm.xlane v3, v2;
	s15 =	simm.s32 $0x15800  }
0xbe: {  	[tilespmem:s15], [sflag:$0x3] =	stream.indirect_vreg.gather [hbm4b:s5+s3], $0x80, v4, vm0, $0xb8;
	[tilespmem:$0x19000] =	vst v63  }
0xbf: {  	v3 =	vadd.s32 v1, v3;
	s15 =	simm.s32 $0x16000  }
0xc0: {  	[tilespmem:s15], [sflag:$0x3] =	stream.indirect_vreg.gather [hbm4b:s6+s3], $0x80, v4, vm0, $0xb8;
	[tilespmem:$0x19000] =	vst v63  }
0xc1: {  	s15 =	simm.s32 $0x16800  }
0xc2: {  	[tilespmem:s15], [sflag:$0x3] =	stream.indirect_vreg.gather [hbm4b:s7+s3], $0x80, v4, vm0, $0xb8;
	[tilespmem:$0x19000] =	vst v63  }
0xc3: {  	s15 =	simm.s32 $0x17000  }
0xc4: {  	[tilespmem:s15], [sflag:$0x3] =	stream.indirect_vreg.gather [hbm4b:s2+s3], $0x80, v3, vm0, $0xb8;
	[tilespmem:$0x19000] =	vst v63  }
0xc5: {  	s15 =	simm.s32 $0x17800  }
0xc6: {  	[tilespmem:s15], [sflag:$0x3] =	stream.indirect_vreg.gather [hbm4b:s5+s3], $0x80, v3, vm0, $0xb8;
	[tilespmem:$0x19000] =	vst v63  }
.Ltmp8:
0xc7: {  	_ = 	snop;
	(pc) =	sbr.rel .LBB2_8-.Ltmp8, $4  }
0xc8: {  	s15 =	simm.s32 $0x18000  }
0xc9: {  	[tilespmem:s15], [sflag:$0x3] =	stream.indirect_vreg.gather [hbm4b:s6+s3], $0x80, v3, vm0, $0xb8;
	[tilespmem:$0x19000] =	vst v63  }
0xca: {  	s15 =	simm.s32 $0x18800  }
0xcb: {  	[tilespmem:s15], [sflag:$0x3] =	stream.indirect_vreg.gather [hbm4b:s7+s3], $0x80, v3, vm0, $0xb8;
	[tilespmem:$0x19000] =	vst v63  }
.LBB2_5:
0xcc: {  	p0 =	slt.u32 s30, $0x2  }
0xcd: {  	s15 =	simm.s32 @!p0 $0x4  }
0xce: {  	_ =	swait.ge @!p0 [sflag:s15], $0x8000  }
0xcf: {  	[sflag:s15] =	ssyncset.done @!p0 $0x0  }
0xd0: {  	[sflag:s15] =	ssyncadd.s32 @!p0 $0xFFFF8000  }
0xd1: {  	v3 =	vld [tilespmem:s10+$0xFFFFFFF0];
	_ =	sdelay $0x4  }
0xd2: {  	v4 =	vshll.u32 v3, $0x3  }
0xd3: {  	v3 =	vand.u32 $0x7, v3;
	v4 =	vand.u32 $0xFFFFFFC0, v4  }
0xd4: {  	v3 =	vor.u32 v3, v4  }
0xd5: {  	v4 =	vperm.xlane v3, v0;
	_ =	sdelay $0x1  }
0xd6: {  	v4 =	vadd.s32 v1, v4;
	_ =	sdelay $0x4  }
0xd7: {  	[tilespmem:s11], [sflag:$0x1] =	stream.indirect_vreg.gather [hbm4b:s2+s3], $0x80, v4, vm0, $0xb8;
	[tilespmem:$0x19000] =	vst v63  }
0xd8: {  	s15 =	simm.s32 $0x1800;
	v3 =	vperm.xlane v3, v2  }
0xd9: {  	[tilespmem:s15], [sflag:$0x1] =	stream.indirect_vreg.gather [hbm4b:s5+s3], $0x80, v4, vm0, $0xb8;
	[tilespmem:$0x19000] =	vst v63  }
0xda: {  	v3 =	vadd.s32 v1, v3;
	s15 =	simm.s32 $0x2000  }
0xdb: {  	[tilespmem:s15], [sflag:$0x1] =	stream.indirect_vreg.gather [hbm4b:s6+s3], $0x80, v4, vm0, $0xb8;
	[tilespmem:$0x19000] =	vst v63  }
0xdc: {  	s15 =	simm.s32 $0x2800  }
0xdd: {  	[tilespmem:s15], [sflag:$0x1] =	stream.indirect_vreg.gather [hbm4b:s7+s3], $0x80, v4, vm0, $0xb8;
	[tilespmem:$0x19000] =	vst v63  }
0xde: {  	s15 =	simm.s32 $0x3000  }
0xdf: {  	[tilespmem:s15], [sflag:$0x1] =	stream.indirect_vreg.gather [hbm4b:s2+s3], $0x80, v3, vm0, $0xb8;
	[tilespmem:$0x19000] =	vst v63  }
0xe0: {  	_ = 	snop  }
0xe1: {  	[tilespmem:s16], [sflag:$0x1] =	stream.indirect_vreg.gather [hbm4b:s5+s3], $0x80, v3, vm0, $0xb8;
	[tilespmem:$0x19000] =	vst v63  }
0xe2: {  	_ = 	snop  }
0xe3: {  	[tilespmem:s17], [sflag:$0x1] =	stream.indirect_vreg.gather [hbm4b:s6+s3], $0x80, v3, vm0, $0xb8;
	[tilespmem:$0x19000] =	vst v63  }
0xe4: {  	_ = 	snop  }
0xe5: {  	[tilespmem:s18], [sflag:$0x1] =	stream.indirect_vreg.gather [hbm4b:s7+s3], $0x80, v3, vm0, $0xb8;
	[tilespmem:$0x19000] =	vst v63  }
0xe6: {  	v3 =	vld [tilespmem:s10+$0x0];
	_ =	sdelay $0x4  }
0xe7: {  	v63 =	vshll.u32 v3, $0x3  }
0xe8: {  	v3 =	vand.u32 $0x7, v3;
	v4 =	vand.u32 $0xFFFFFFC0, v63  }
0xe9: {  	v3 =	vor.u32 v3, v4  }
0xea: {  	v4 =	vperm.xlane v3, v0;
	_ =	sdelay $0x1  }
0xeb: {  	v4 =	vadd.s32 v1, v4;
	_ =	sdelay $0x4  }
0xec: {  	[tilespmem:s19], [sflag:$0x1] =	stream.indirect_vreg.gather [hbm4b:s2+s3], $0x80, v4, vm0, $0xb8;
	[tilespmem:$0x19000] =	vst v63  }
0xed: {  	v3 =	vperm.xlane v3, v2  }
0xee: {  	[tilespmem:s20], [sflag:$0x1] =	stream.indirect_vreg.gather [hbm4b:s5+s3], $0x80, v4, vm0, $0xb8;
	[tilespmem:$0x19000] =	vst v63  }
0xef: {  	v3 =	vadd.s32 v1, v3  }
0xf0: {  	[tilespmem:s21], [sflag:$0x1] =	stream.indirect_vreg.gather [hbm4b:s6+s3], $0x80, v4, vm0, $0xb8;
	[tilespmem:$0x19000] =	vst v63  }
0xf1: {  	_ = 	snop  }
0xf2: {  	[tilespmem:s22], [sflag:$0x1] =	stream.indirect_vreg.gather [hbm4b:s7+s3], $0x80, v4, vm0, $0xb8;
	[tilespmem:$0x19000] =	vst v63  }
0xf3: {  	_ = 	snop  }
0xf4: {  	[tilespmem:s23], [sflag:$0x1] =	stream.indirect_vreg.gather [hbm4b:s2+s3], $0x80, v3, vm0, $0xb8;
	[tilespmem:$0x19000] =	vst v63  }
0xf5: {  	_ = 	snop  }
0xf6: {  	[tilespmem:s24], [sflag:$0x1] =	stream.indirect_vreg.gather [hbm4b:s5+s3], $0x80, v3, vm0, $0xb8;
	[tilespmem:$0x19000] =	vst v63  }
0xf7: {  	_ = 	snop  }
0xf8: {  	[tilespmem:s25], [sflag:$0x1] =	stream.indirect_vreg.gather [hbm4b:s6+s3], $0x80, v3, vm0, $0xb8;
	[tilespmem:$0x19000] =	vst v63  }
0xf9: {  	_ = 	snop  }
0xfa: {  	[tilespmem:s26], [sflag:$0x1] =	stream.indirect_vreg.gather [hbm4b:s7+s3], $0x80, v3, vm0, $0xb8;
	[tilespmem:$0x19000] =	vst v63  }
.LBB2_8:
0xfb: {  	s15 =	smul.u32 $0xAB, s30;
	_ =	sdelay $0x1  }
0xfc: {  	s15 =	sshrl.u32 s15, $0x9  }
0xfd: {  	s15 =	sand.u32 $0x7F, s15  }
0xfe: {  	s15 =	smul.u32 $0x3, s15;
	_ =	sdelay $0x1  }
0xff: {  	s15 =	ssub.s32 s30, s15  }
0x100: {  	s15 =	sand.u32 $0xFF, s15  }
0x101: {  	p0 =	seq.s32 s15, $0x2  }
.Ltmp9:
0x102: {  	_ = 	snop;
	(pc) =	sbr.rel @p0 .LBB2_12-.Ltmp9, $1  }
0x103: {  	_ =	sdelay $0x3  }
0x104: {  	p0 =	seq.s32 s15, $0x1  }
.Ltmp10:
0x105: {  	_ = 	snop;
	(pc) =	sbr.rel @p0 .LBB2_11-.Ltmp10, $1  }
0x106: {  	_ =	sdelay $0x3  }
.Ltmp11:
0x107: {  	(pc) =	sbr.rel .LBB2_13-.Ltmp11, $4  }
0x108: {  	_ =	swait.ge [sflag:s9], $0x8000  }
0x109: {  	[sflag:s9] =	ssyncset.done $0x0  }
0x10a: {  	[sflag:s9] =	ssyncadd.s32 $0xFFFF8000  }
0x10b: {  	[hbm4b:s13+s3] =	stream.linear.scatter [tilespmem:s11], [sflag:$0x4], $0x8000, $0x38;
	[tilespmem:$0x19000] =	vst v63  }
.LBB2_12:
.Ltmp12:
0x10c: {  	(pc) =	sbr.rel .LBB2_13-.Ltmp12, $4  }
0x10d: {  	_ =	swait.ge [sflag:s8], $0x8000  }
0x10e: {  	[sflag:s8] =	ssyncset.done $0x0  }
0x10f: {  	[sflag:s8] =	ssyncadd.s32 $0xFFFF8000  }
0x110: {  	[hbm4b:s13+s3] =	stream.linear.scatter [tilespmem:s1], [sflag:$0x6], $0x8000, $0x38;
	[tilespmem:$0x19000] =	vst v63  }
.LBB2_15:
0x111: {  	_ =	sfence.sel $0x180000  }
0x112: {  	[bflag:$0x0] =	sbarrier.arrive $0xFFFF  }
0x113: {  	_ =	strace $0x90000047  }
0x114: {  	s0 =	stileid.u32;
	[bflag:$0x2] =	sbarrier.arrive $0xFFFF  }
0x115: {  	p0 =	sne.s32 s0, $0x0;
	s0 =	rddreg [dreg:$0x3]  }
0x116: {  	s0 =	sadd.s32 @!p0 $0x100000, s0  }
0x117: {  	[sflag:s0] =	ssyncadd.tile.s32 @!p0 $0x1;
	_ =	shalt  }
.Lfunc_end2:
_tile_overlayer_lowered:
.L_overlay_start_2:
0x118: {  	(tag) =	ssettag $0x2  }
0x119: {  	s0 =	rddreg [dreg:$0x0];
	s2 =	stileid.u32  }
0x11a: {  	s1 =	rddreg [dreg:$0x1];
	p0 =	sne.s32 s2, $0x0  }
0x11b: {  	s3 =	rddreg [dreg:$0x2];
	[bflag:$0x3] =	sbarrier.arrive $0xFFFF;
	s2 =	simm.s32 @!p0 $0x1C07  }
0x11c: {  	[timem:s3], [sflag:s2] =	dma.local @!p0 [hbm:s0], s1  }
0x11d: {  	s0 =	simm.s32 @!p0 $0x7  }
0x11e: {  	_ =	swait.ge @!p0 [sflag:s0], s1  }
0x11f: {  	s1 =	ssub.s32 @!p0 $0x0, s1;
	[sflag:s0] =	ssyncset.done @!p0 $0x0  }
0x120: {  	[sflag:s0] =	ssyncadd.s32 @!p0 s1  }
0x121: {  	[bflag:$0x3] =	sbarrier.arrive $0xFFFF  }
0x122: {  	_ =	shalt  }

</sc_bundles>
